<compile_context>
chip_gen: v7x
topology: tpu7x:2x2x1
jax: 0.10.2.dev20260603
libtpu: 0.0.44.dev20260713+nightly
codegen_flags: <defaults>
</compile_context>

<pallas_src>
import functools

import jax
import jax.numpy as jnp
from jax import lax
from jax.experimental import pallas as pl
from jax.experimental.pallas import tpu as pltpu
from jax.experimental.pallas import tpu_sc as plsc

N = 2048
E = 65536
D_X = 512
D_E = 16
OUT_X = 512
OUT_E = 256

NC = 2
NS = 16
NW = NC * NS
EPW = E // NW
BCH = 128
KCH = EPW // BCH
RPT = N // NS
L = 16


def _segment_sum_sc(idx2, ea_t):
    mesh = plsc.VectorSubcoreMesh(core_axis_name="c", subcore_axis_name="s")

    @functools.partial(
        pl.kernel,
        out_type=jax.ShapeDtypeStruct((NC * D_E, N), jnp.float32),
        mesh=mesh,
        scratch_types=[
            pltpu.VMEM((EPW,), jnp.int32),
            pltpu.VMEM((KCH, BCH), jnp.int32),
            pltpu.VMEM((D_E, EPW), jnp.float32),
            pltpu.VMEM((EPW, D_E), jnp.float32),
            pltpu.VMEM((RPT, D_E), jnp.float32),
            pltpu.VMEM((D_E, RPT), jnp.float32),
            pltpu.VMEM_SHARED((N, D_E), jnp.float32),
            pltpu.SemaphoreType.DMA,
            pltpu.SemaphoreType.DMA,
            pltpu.SemaphoreType.DMA,
        ],
        compiler_params=pltpu.CompilerParams(use_tc_tiling_on_sc=False,
                                             needs_layout_passes=False),
    )
    def seg_kernel(idx_hbm, ea_hbm, out_hbm, idxf_v, idx_v, tbuf_v, rows_v,
                   stripe_v, stripet_v, acc_sh, sem_idx, sem_ea, sem_sc):
        c = lax.axis_index("c")
        s = lax.axis_index("s")
        wid = s * NC + c
        base = wid * EPW

        with jax.named_scope("stage"):
            cp_idx = pltpu.async_copy(idx_hbm.at[0, pl.ds(base, EPW)],
                                      idxf_v, sem_idx)
            cp_ea = pltpu.async_copy(ea_hbm.at[:, pl.ds(base, EPW)],
                                     tbuf_v, sem_ea)

        with jax.named_scope("zero"):
            def zero_row(i, carry):
                stripe_v[i] = jnp.zeros((D_E,), jnp.float32)
                return carry

            lax.fori_loop(0, RPT, zero_row, 0)
            pltpu.sync_copy(stripe_v, acc_sh.at[pl.ds(s * RPT, RPT)])

        with jax.named_scope("repack"):
            cp_idx.wait()

            def repack(i, carry):
                j = i // (BCH // L)
                b = i % (BCH // L)
                idx_v[j, pl.ds(b * L, L)] = idxf_v[pl.ds(i * L, L)]
                return carry

            lax.fori_loop(0, EPW // L, repack, 0, unroll=2)
        plsc.subcore_barrier()
        lanes = lax.iota(jnp.int32, L)
        dsplats = [jnp.full((L,), d, jnp.int32) for d in range(D_E)]
        CPB = BCH // L

        with jax.named_scope("transpose"):
            cp_ea.wait()

            def tr_chunk(ch, carry):
                erow = ch * L + lanes
                for d in range(D_E):
                    vals = tbuf_v[d, pl.ds(ch * L, L)]
                    plsc.store_scatter(rows_v, [erow, dsplats[d]], vals)

                @pl.when(ch % CPB == CPB - 1)
                def _fire():
                    j = ch // CPB
                    pltpu.async_copy(rows_v.at[pl.ds(j * BCH, BCH)],
                                     acc_sh.at[idx_v.at[j]], sem_sc,
                                     add=True)

                return carry

            lax.fori_loop(0, EPW // L, tr_chunk, 0)

        with jax.named_scope("scatter"):
            def drain(j, carry):
                pltpu.make_async_copy(rows_v.at[pl.ds(0, BCH)],
                                      acc_sh.at[idx_v.at[0]], sem_sc).wait()
                return carry

            lax.fori_loop(0, KCH, drain, 0)
        plsc.subcore_barrier()

        with jax.named_scope("writeout"):
            pltpu.sync_copy(acc_sh.at[pl.ds(s * RPT, RPT)], stripe_v)

            def tr_out(ch, carry):
                rrow = ch * L + lanes
                for d in range(D_E):
                    vals = plsc.load_gather(
                        stripe_v, [rrow, jnp.full((L,), d, jnp.int32)])
                    stripet_v[d, pl.ds(ch * L, L)] = vals
                return carry

            lax.fori_loop(0, RPT // L, tr_out, 0)
            pltpu.sync_copy(stripet_v,
                            out_hbm.at[pl.ds(c * D_E, D_E),
                                       pl.ds(s * RPT, RPT)])

    return seg_kernel(idx2, ea_t)


def _x_linear_tc(x, Wx, bx):
    def body(x_ref, wx_ref, bx_ref, o_ref):
        xo = lax.dot_general(x_ref[...], wx_ref[...],
                             (((1,), (1,)), ((), ())),
                             preferred_element_type=jnp.float32)
        o_ref[...] = xo + bx_ref[...][None, :]

    return pl.pallas_call(
        body,
        out_shape=jax.ShapeDtypeStruct((N, OUT_X + OUT_E), jnp.float32),
        grid=(1,),
        in_specs=[
            pl.BlockSpec((N, D_X), lambda i: (0, 0)),
            pl.BlockSpec((OUT_X, D_X), lambda i: (0, 0)),
            pl.BlockSpec((OUT_X,), lambda i: (0,)),
        ],
        out_specs=pl.BlockSpec((N, OUT_X), lambda i: (0, 0)),
    )(x, Wx, bx)


def _e_linear_tc(xo_full, partials_t, We, be):
    def body(xo_ref, p_ref, we_ref, be_ref, o_ref):
        agg_t = p_ref[:D_E, :] + p_ref[D_E:, :]
        eo = lax.dot_general(agg_t, we_ref[...],
                             (((0,), (1,)), ((), ())),
                             preferred_element_type=jnp.float32)
        o_ref[...] = eo + be_ref[...][None, :]

    return pl.pallas_call(
        body,
        out_shape=jax.ShapeDtypeStruct((N, OUT_X + OUT_E), jnp.float32),
        grid=(1,),
        in_specs=[
            pl.BlockSpec(memory_space=pl.ANY),
            pl.BlockSpec((NC * D_E, N), lambda i: (0, 0)),
            pl.BlockSpec((OUT_E, D_E), lambda i: (0, 0)),
            pl.BlockSpec((OUT_E,), lambda i: (0,)),
        ],
        out_specs=pl.BlockSpec((N, OUT_E), lambda i: (0, 2)),
        input_output_aliases={0: 0},
    )(xo_full, partials_t, We, be)


def kernel(x, edge_index, edge_attr, Wx, bx, We, be):
    ea_t = edge_attr.T
    partials_t = _segment_sum_sc(edge_index.astype(jnp.int32), ea_t)
    xo = _x_linear_tc(x, Wx, bx)
    return _e_linear_tc(xo, partials_t, We, be)

# --- scband reference (transcript-rebuilt; emitter-appended) ---
"""Pipeline reference for scband-node-centric-2482491097663 (READ-ONLY COPY).

The authoritative reference and input builder live on the scoring server;
editing this copy changes nothing except your own understanding.
"""

import jax, jax.numpy as jnp
import numpy as np

N = 2048
E = 65536
D_X = 512
D_E = 16
OUT_X = 512
OUT_E = 256


def setup_inputs(seed: int = 0) -> dict:
    key = jax.random.key(seed)
    k1, k2, k3, k4, k5, k6, k7 = jax.random.split(key, 7)
    x = jax.random.normal(k1, (N, D_X), dtype=jnp.float32)
    edge_index = jax.random.randint(k2, (2, E), 0, N, dtype=jnp.int64)
    # ensure max index N-1 appears in both dims so torch to_dense shape matches
    edge_index = edge_index.at[0, 0].set(N - 1).at[1, 0].set(N - 1)
    edge_attr = jax.random.normal(k3, (E, D_E), dtype=jnp.float32)
    Wx = jax.random.normal(k4, (OUT_X, D_X), dtype=jnp.float32) * (1.0 / np.sqrt(D_X))
    bx = jax.random.normal(k5, (OUT_X,), dtype=jnp.float32) * 0.01
    We = jax.random.normal(k6, (OUT_E, D_E), dtype=jnp.float32) * (1.0 / np.sqrt(D_E))
    be = jax.random.normal(k7, (OUT_E,), dtype=jnp.float32) * 0.01
    return {"x": x, "edge_index": edge_index, "edge_attr": edge_attr,
            "Wx": Wx, "bx": bx, "We": We, "be": be}


def reference(x, edge_index, edge_attr, Wx, bx, We, be):
    # torch: sparse_coo_tensor(edge_index, edge_attr).to_dense() -> [N, N, D_E]
    #        sum over dim=1 == segment-sum of edge_attr by row index edge_index[0]
    agg = jax.ops.segment_sum(edge_attr, edge_index[0], num_segments=x.shape[0])
    x_out = x @ Wx.T + bx
    e_out = agg @ We.T + be
    return jnp.concatenate((x_out, e_out), axis=1)

if __name__ == "__main__":
    import jax
    _d = setup_inputs()
    print(jax.jit(kernel)(*tuple(_d.values())))

</pallas_src>

<mosaic_0001>
#map = affine_map<(d0, d1) -> (0, 0)>
module attributes {stable_mosaic.version = 14 : i64} {
  func.func @seg_kernel(%arg0: i32, %arg1: i32, %arg2: memref<2x65536xi32, #tpu.memory_space<hbm>>, %arg3: memref<16x65536xf32, #tpu.memory_space<hbm>>, %arg4: memref<32x2048xf32, #tpu.memory_space<hbm>>, %arg5: memref<2048xi32, #tpu.memory_space<vmem>>, %arg6: memref<16x128xi32, #tpu.memory_space<vmem>>, %arg7: memref<16x2048xf32, #tpu.memory_space<vmem>>, %arg8: memref<2048x16xf32, #tpu.memory_space<vmem>>, %arg9: memref<128x16xf32, #tpu.memory_space<vmem>>, %arg10: memref<16x128xf32, #tpu.memory_space<vmem>>, %arg11: memref<2048x16xf32, #tpu.memory_space<vmem_shared>>, %arg12: memref<!tpu.dma_semaphore, #tpu.memory_space<semaphore_mem>>, %arg13: memref<!tpu.dma_semaphore, #tpu.memory_space<semaphore_mem>>, %arg14: memref<!tpu.dma_semaphore, #tpu.memory_space<semaphore_mem>>) attributes {dimension_semantics = [#tpu.dimension_semantics<core_parallel>, #tpu.dimension_semantics<subcore_parallel>], iteration_bounds = array<i64: 2, 16>, scalar_prefetch = 0 : i64, scratch_operands = 10 : i64, tpu.core_type = #tpu.core_type<sc_vector_subcore>, window_params = [{transform_indices = #map}, {transform_indices = #map}, {transform_indices = #map}]} {
    %mul3A = arith.constant 2 : i32
    %mul3A_0 = arith.muli %arg1, %mul3A : i32
    %add3A = arith.addi %mul3A_0, %arg0 : i32
    %mul3A_1 = arith.constant 2048 : i32
    %mul3A_2 = arith.muli %add3A, %mul3A_1 : i32
    %dma_start3A = arith.constant 0 : i32
    "tpu.trace_start"() <{level = 10 : i32, message = "stage"}> : () -> ()
    %dma_start3A_3 = tpu.memref_slice %arg2[%dma_start3A, %mul3A_2] : memref<2x65536xi32, #tpu.memory_space<hbm>> -> memref<1x2048xi32, #tpu.memory_space<hbm>>
    %dma_start3A_4 = tpu.memref_squeeze %dma_start3A_3 : memref<1x2048xi32, #tpu.memory_space<hbm>> -> memref<2048xi32, #tpu.memory_space<hbm>>
    %dma_start3A_5 = tpu.memref_slice %arg2[%dma_start3A, %mul3A_2] : memref<2x65536xi32, #tpu.memory_space<hbm>> -> memref<1x2048xi32, #tpu.memory_space<hbm>>
    %dma_start3A_6 = tpu.memref_squeeze %dma_start3A_5 : memref<1x2048xi32, #tpu.memory_space<hbm>> -> memref<2048xi32, #tpu.memory_space<hbm>>
    tpu.enqueue_dma source(%dma_start3A_6 : memref<2048xi32, #tpu.memory_space<hbm>>) target(%arg5 : memref<2048xi32, #tpu.memory_space<vmem>>) target_semaphore(%arg12 : memref<!tpu.dma_semaphore, #tpu.memory_space<semaphore_mem>>)
    %dma_start3A_7 = arith.constant 0 : i32
    %dma_start3A_8 = tpu.memref_slice %arg3[%dma_start3A_7, %mul3A_2] : memref<16x65536xf32, #tpu.memory_space<hbm>> -> memref<16x2048xf32, #tpu.memory_space<hbm>>
    %dma_start3A_9 = arith.constant 0 : i32
    %dma_start3A_10 = tpu.memref_slice %arg3[%dma_start3A_9, %mul3A_2] : memref<16x65536xf32, #tpu.memory_space<hbm>> -> memref<16x2048xf32, #tpu.memory_space<hbm>>
    tpu.enqueue_dma source(%dma_start3A_10 : memref<16x2048xf32, #tpu.memory_space<hbm>>) target(%arg7 : memref<16x2048xf32, #tpu.memory_space<vmem>>) target_semaphore(%arg13 : memref<!tpu.dma_semaphore, #tpu.memory_space<semaphore_mem>>)
    "tpu.trace_stop"() : () -> ()
    "tpu.trace_start"() <{level = 10 : i32, message = "zero"}> : () -> ()
    %scan3A = arith.constant 0 : i32
    %scan3A_11 = arith.constant 0 : i32
    %scan3A_12 = arith.constant 128 : i32
    %scan3A_13 = arith.addi %scan3A_11, %scan3A_12 : i32
    %scan3A_14 = arith.constant 1 : i32
    scf.for %scan3A_88 = %scan3A_11 to %scan3A_13 step %scan3A_14  : i32 {
      %broadcast_in_dim3A_89 = arith.constant 0.000000e+00 : f32
      %broadcast_in_dim3A_90 = vector.broadcast %broadcast_in_dim3A_89 : f32 to vector<16xf32>
      %swap3A = arith.index_cast %scan3A_88 : i32 to index
      %swap3A_91 = arith.constant 0 : index
      %swap3A_92 = tpu.vector_load %arg9[%swap3A, %swap3A_91] {strides = array<i32>} : memref<128x16xf32, #tpu.memory_space<vmem>>, vector<16xf32>,
      tpu.vector_store %arg9[%swap3A, %swap3A_91], %broadcast_in_dim3A_90 {strides = array<i32>} : memref<128x16xf32, #tpu.memory_space<vmem>>, vector<16xf32>,
    }
    %scan3A_15 = arith.constant 128 : i32
    %mul3A_16 = arith.constant 128 : i32
    %mul3A_17 = arith.muli %arg1, %mul3A_16 : i32
    "tpu.region"() ({
      %run_scoped3A = tpu.sem_alloc : memref<!tpu.dma_semaphore, #tpu.memory_space<semaphore_mem>>
      %dma_start3A_88 = arith.constant 0 : i32
      %dma_start3A_89 = tpu.memref_slice %arg11[%mul3A_17, %dma_start3A_88] : memref<2048x16xf32, #tpu.memory_space<vmem_shared>> -> memref<128x16xf32, #tpu.memory_space<vmem_shared>>
      %dma_start3A_90 = arith.constant 0 : i32
      %dma_start3A_91 = tpu.memref_slice %arg11[%mul3A_17, %dma_start3A_90] : memref<2048x16xf32, #tpu.memory_space<vmem_shared>> -> memref<128x16xf32, #tpu.memory_space<vmem_shared>>
      tpu.enqueue_dma source(%arg9 : memref<128x16xf32, #tpu.memory_space<vmem>>) target(%dma_start3A_91 : memref<128x16xf32, #tpu.memory_space<vmem_shared>>) target_semaphore(%run_scoped3A : memref<!tpu.dma_semaphore, #tpu.memory_space<semaphore_mem>>)
      %dma_wait3A_92 = arith.constant 0 : i32
      %dma_wait3A_93 = tpu.memref_slice %arg11[%mul3A_17, %dma_wait3A_92] : memref<2048x16xf32, #tpu.memory_space<vmem_shared>> -> memref<128x16xf32, #tpu.memory_space<vmem_shared>>
      %dma_wait3A_94 = arith.constant 0 : i32
      %dma_wait3A_95 = tpu.memref_slice %arg11[%mul3A_17, %dma_wait3A_94] : memref<2048x16xf32, #tpu.memory_space<vmem_shared>> -> memref<128x16xf32, #tpu.memory_space<vmem_shared>>
      tpu.wait_dma2 semaphore(%run_scoped3A : memref<!tpu.dma_semaphore, #tpu.memory_space<semaphore_mem>>) src(%arg9 : memref<128x16xf32, #tpu.memory_space<vmem>>) dst(%dma_wait3A_95 : memref<128x16xf32, #tpu.memory_space<vmem_shared>>)
      tpu.yield
    }) : () -> ()
    %dma_wait3A = arith.constant 0 : i32
    "tpu.trace_stop"() : () -> ()
    "tpu.trace_start"() <{level = 10 : i32, message = "repack"}> : () -> ()
    %dma_wait3A_18 = tpu.memref_slice %arg2[%dma_wait3A, %mul3A_2] : memref<2x65536xi32, #tpu.memory_space<hbm>> -> memref<1x2048xi32, #tpu.memory_space<hbm>>
    %dma_wait3A_19 = tpu.memref_squeeze %dma_wait3A_18 : memref<1x2048xi32, #tpu.memory_space<hbm>> -> memref<2048xi32, #tpu.memory_space<hbm>>
    %dma_wait3A_20 = tpu.memref_slice %arg2[%dma_wait3A, %mul3A_2] : memref<2x65536xi32, #tpu.memory_space<hbm>> -> memref<1x2048xi32, #tpu.memory_space<hbm>>
    %dma_wait3A_21 = tpu.memref_squeeze %dma_wait3A_20 : memref<1x2048xi32, #tpu.memory_space<hbm>> -> memref<2048xi32, #tpu.memory_space<hbm>>
    tpu.wait_dma2 semaphore(%arg12 : memref<!tpu.dma_semaphore, #tpu.memory_space<semaphore_mem>>) src(%dma_wait3A_21 : memref<2048xi32, #tpu.memory_space<hbm>>) dst(%arg5 : memref<2048xi32, #tpu.memory_space<vmem>>)
    %scan3A_22 = arith.constant 0 : i32
    %scan3A_23 = arith.constant 0 : i32
    %scan3A_24 = arith.constant 128 : i32
    %scan3A_25 = arith.addi %scan3A_23, %scan3A_24 : i32
    %scan3A_26 = arith.constant 2 : i32
    scf.for %scan3A_88 = %scan3A_23 to %scan3A_25 step %scan3A_26  : i32 {
      %jit3A = arith.constant 8 : i32
      %div3A = arith.divsi %scan3A_88, %jit3A : i32
      %sign3A = arith.constant 0 : i32
      %sign3A_89 = arith.cmpi sgt, %scan3A_88, %sign3A : i32
      %sign3A_90 = arith.extui %sign3A_89 : i1 to i32
      %sign3A_91 = arith.constant 0 : i32
      %sign3A_92 = arith.cmpi slt, %scan3A_88, %sign3A_91 : i32
      %sign3A_93 = arith.extui %sign3A_92 : i1 to i32
      %sign3A_94 = arith.subi %sign3A_90, %sign3A_93 : i32
      %sign3A_95 = arith.constant 0 : i32
      %sign3A_96 = arith.cmpi sgt, %jit3A, %sign3A_95 : i32
      %sign3A_97 = arith.extui %sign3A_96 : i1 to i32
      %sign3A_98 = arith.constant 0 : i32
      %sign3A_99 = arith.cmpi slt, %jit3A, %sign3A_98 : i32
      %sign3A_100 = arith.extui %sign3A_99 : i1 to i32
      %sign3A_101 = arith.subi %sign3A_97, %sign3A_100 : i32
      %ne3A = arith.cmpi ne, %sign3A_94, %sign3A_101 : i32
      %rem3A = arith.remsi %scan3A_88, %jit3A : i32
      %ne3A_102 = arith.constant 0 : i32
      %ne3A_103 = arith.cmpi ne, %rem3A, %ne3A_102 : i32
      %and3A = arith.andi %ne3A, %ne3A_103 : i1
      %sub3A = arith.constant 1 : i32
      %sub3A_104 = arith.subi %div3A, %sub3A : i32
      %select_n3A = arith.select %and3A, %sub3A_104, %div3A : i32
      %jit3A_105 = arith.constant 8 : i32
      %eq3A = arith.constant 0 : i32
      %eq3A_106 = arith.cmpi eq, %jit3A_105, %eq3A : i32
      %jit3A_107 = arith.constant 1 : i32
      %select_n3A_108 = arith.select %eq3A_106, %jit3A_107, %jit3A_105 : i32
      %rem3A_109 = arith.remsi %scan3A_88, %select_n3A_108 : i32
      %ne3A_110 = arith.constant 0 : i32
      %ne3A_111 = arith.cmpi ne, %rem3A_109, %ne3A_110 : i32
      %lt3A = arith.constant 0 : i32
      %lt3A_112 = arith.cmpi slt, %rem3A_109, %lt3A : i32
      %lt3A_113 = arith.constant 0 : i32
      %lt3A_114 = arith.cmpi slt, %select_n3A_108, %lt3A_113 : i32
      %ne3A_115 = arith.xori %lt3A_112, %lt3A_114 : i1
      %and3A_116 = arith.andi %ne3A_115, %ne3A_111 : i1
      %add3A_117 = arith.addi %rem3A_109, %select_n3A_108 : i32
      %select_n3A_118 = arith.select %and3A_116, %add3A_117, %rem3A_109 : i32
      %mul3A_119 = arith.constant 16 : i32
      %mul3A_120 = arith.muli %scan3A_88, %mul3A_119 : i32
      %get3A = arith.index_cast %mul3A_120 : i32 to index
      %get3A_121 = tpu.vector_load %arg5[%get3A] {strides = array<i32>} : memref<2048xi32, #tpu.memory_space<vmem>>, vector<16xi32>,
      %mul3A_122 = arith.constant 16 : i32
      %mul3A_123 = arith.muli %select_n3A_118, %mul3A_122 : i32
      %swap3A = arith.index_cast %select_n3A : i32 to index
      %swap3A_124 = arith.index_cast %mul3A_123 : i32 to index
      %swap3A_125 = tpu.vector_load %arg6[%swap3A, %swap3A_124] {strides = array<i32>} : memref<16x128xi32, #tpu.memory_space<vmem>>, vector<16xi32>,
      tpu.vector_store %arg6[%swap3A, %swap3A_124], %get3A_121 {strides = array<i32>} : memref<16x128xi32, #tpu.memory_space<vmem>>, vector<16xi32>,
      %scan3A_126 = arith.constant 1 : i32
      %scan3A_127 = arith.addi %scan3A_88, %scan3A_126 : i32
      %jit3A_128 = arith.constant 8 : i32
      %div3A_129 = arith.divsi %scan3A_127, %jit3A_128 : i32
      %sign3A_130 = arith.constant 0 : i32
      %sign3A_131 = arith.cmpi sgt, %scan3A_127, %sign3A_130 : i32
      %sign3A_132 = arith.extui %sign3A_131 : i1 to i32
      %sign3A_133 = arith.constant 0 : i32
      %sign3A_134 = arith.cmpi slt, %scan3A_127, %sign3A_133 : i32
      %sign3A_135 = arith.extui %sign3A_134 : i1 to i32
      %sign3A_136 = arith.subi %sign3A_132, %sign3A_135 : i32
      %sign3A_137 = arith.constant 0 : i32
      %sign3A_138 = arith.cmpi sgt, %jit3A_128, %sign3A_137 : i32
      %sign3A_139 = arith.extui %sign3A_138 : i1 to i32
      %sign3A_140 = arith.constant 0 : i32
      %sign3A_141 = arith.cmpi slt, %jit3A_128, %sign3A_140 : i32
      %sign3A_142 = arith.extui %sign3A_141 : i1 to i32
      %sign3A_143 = arith.subi %sign3A_139, %sign3A_142 : i32
      %ne3A_144 = arith.cmpi ne, %sign3A_136, %sign3A_143 : i32
      %rem3A_145 = arith.remsi %scan3A_127, %jit3A_128 : i32
      %ne3A_146 = arith.constant 0 : i32
      %ne3A_147 = arith.cmpi ne, %rem3A_145, %ne3A_146 : i32
      %and3A_148 = arith.andi %ne3A_144, %ne3A_147 : i1
      %sub3A_149 = arith.constant 1 : i32
      %sub3A_150 = arith.subi %div3A_129, %sub3A_149 : i32
      %select_n3A_151 = arith.select %and3A_148, %sub3A_150, %div3A_129 : i32
      %jit3A_152 = arith.constant 8 : i32
      %eq3A_153 = arith.constant 0 : i32
      %eq3A_154 = arith.cmpi eq, %jit3A_152, %eq3A_153 : i32
      %jit3A_155 = arith.constant 1 : i32
      %select_n3A_156 = arith.select %eq3A_154, %jit3A_155, %jit3A_152 : i32
      %rem3A_157 = arith.remsi %scan3A_127, %select_n3A_156 : i32
      %ne3A_158 = arith.constant 0 : i32
      %ne3A_159 = arith.cmpi ne, %rem3A_157, %ne3A_158 : i32
      %lt3A_160 = arith.constant 0 : i32
      %lt3A_161 = arith.cmpi slt, %rem3A_157, %lt3A_160 : i32
      %lt3A_162 = arith.constant 0 : i32
      %lt3A_163 = arith.cmpi slt, %select_n3A_156, %lt3A_162 : i32
      %ne3A_164 = arith.xori %lt3A_161, %lt3A_163 : i1
      %and3A_165 = arith.andi %ne3A_164, %ne3A_159 : i1
      %add3A_166 = arith.addi %rem3A_157, %select_n3A_156 : i32
      %select_n3A_167 = arith.select %and3A_165, %add3A_166, %rem3A_157 : i32
      %mul3A_168 = arith.constant 16 : i32
      %mul3A_169 = arith.muli %scan3A_127, %mul3A_168 : i32
      %get3A_170 = arith.index_cast %mul3A_169 : i32 to index
      %get3A_171 = tpu.vector_load %arg5[%get3A_170] {strides = array<i32>} : memref<2048xi32, #tpu.memory_space<vmem>>, vector<16xi32>,
      %mul3A_172 = arith.constant 16 : i32
      %mul3A_173 = arith.muli %select_n3A_167, %mul3A_172 : i32
      %swap3A_174 = arith.index_cast %select_n3A_151 : i32 to index
      %swap3A_175 = arith.index_cast %mul3A_173 : i32 to index
      %swap3A_176 = tpu.vector_load %arg6[%swap3A_174, %swap3A_175] {strides = array<i32>} : memref<16x128xi32, #tpu.memory_space<vmem>>, vector<16xi32>,
      tpu.vector_store %arg6[%swap3A_174, %swap3A_175], %get3A_171 {strides = array<i32>} : memref<16x128xi32, #tpu.memory_space<vmem>>, vector<16xi32>,
    }
    %scan3A_27 = arith.constant 128 : i32
    "tpu.trace_stop"() : () -> ()
    %barrier3A = arith.constant 0 : index
    tpu.barrier barrier_id(%barrier3A)
    %iota3A = tpu.iota {dimensions = array<i32: 0>} : vector<16xi32>
    %broadcast_in_dim3A = arith.constant 0 : i32
    %broadcast_in_dim3A_28 = vector.broadcast %broadcast_in_dim3A : i32 to vector<16xi32>
    %broadcast_in_dim3A_29 = arith.constant 1 : i32
    %broadcast_in_dim3A_30 = vector.broadcast %broadcast_in_dim3A_29 : i32 to vector<16xi32>
    %broadcast_in_dim3A_31 = arith.constant 2 : i32
    %broadcast_in_dim3A_32 = vector.broadcast %broadcast_in_dim3A_31 : i32 to vector<16xi32>
    %broadcast_in_dim3A_33 = arith.constant 3 : i32
    %broadcast_in_dim3A_34 = vector.broadcast %broadcast_in_dim3A_33 : i32 to vector<16xi32>
    %broadcast_in_dim3A_35 = arith.constant 4 : i32
    %broadcast_in_dim3A_36 = vector.broadcast %broadcast_in_dim3A_35 : i32 to vector<16xi32>
    %broadcast_in_dim3A_37 = arith.constant 5 : i32
    %broadcast_in_dim3A_38 = vector.broadcast %broadcast_in_dim3A_37 : i32 to vector<16xi32>
    %broadcast_in_dim3A_39 = arith.constant 6 : i32
    %broadcast_in_dim3A_40 = vector.broadcast %broadcast_in_dim3A_39 : i32 to vector<16xi32>
    %broadcast_in_dim3A_41 = arith.constant 7 : i32
    %broadcast_in_dim3A_42 = vector.broadcast %broadcast_in_dim3A_41 : i32 to vector<16xi32>
    %broadcast_in_dim3A_43 = arith.constant 8 : i32
    %broadcast_in_dim3A_44 = vector.broadcast %broadcast_in_dim3A_43 : i32 to vector<16xi32>
    %broadcast_in_dim3A_45 = arith.constant 9 : i32
    %broadcast_in_dim3A_46 = vector.broadcast %broadcast_in_dim3A_45 : i32 to vector<16xi32>
    %broadcast_in_dim3A_47 = arith.constant 10 : i32
    %broadcast_in_dim3A_48 = vector.broadcast %broadcast_in_dim3A_47 : i32 to vector<16xi32>
    %broadcast_in_dim3A_49 = arith.constant 11 : i32
    %broadcast_in_dim3A_50 = vector.broadcast %broadcast_in_dim3A_49 : i32 to vector<16xi32>
    %broadcast_in_dim3A_51 = arith.constant 12 : i32
    %broadcast_in_dim3A_52 = vector.broadcast %broadcast_in_dim3A_51 : i32 to vector<16xi32>
    %broadcast_in_dim3A_53 = arith.constant 13 : i32
    %broadcast_in_dim3A_54 = vector.broadcast %broadcast_in_dim3A_53 : i32 to vector<16xi32>
    %broadcast_in_dim3A_55 = arith.constant 14 : i32
    %broadcast_in_dim3A_56 = vector.broadcast %broadcast_in_dim3A_55 : i32 to vector<16xi32>
    %broadcast_in_dim3A_57 = arith.constant 15 : i32
    %broadcast_in_dim3A_58 = vector.broadcast %broadcast_in_dim3A_57 : i32 to vector<16xi32>
    "tpu.trace_start"() <{level = 10 : i32, message = "transpose"}> : () -> ()
    %dma_wait3A_59 = arith.constant 0 : i32
    %dma_wait3A_60 = tpu.memref_slice %arg3[%dma_wait3A_59, %mul3A_2] : memref<16x65536xf32, #tpu.memory_space<hbm>> -> memref<16x2048xf32, #tpu.memory_space<hbm>>
    %dma_wait3A_61 = arith.constant 0 : i32
    %dma_wait3A_62 = tpu.memref_slice %arg3[%dma_wait3A_61, %mul3A_2] : memref<16x65536xf32, #tpu.memory_space<hbm>> -> memref<16x2048xf32, #tpu.memory_space<hbm>>
    tpu.wait_dma2 semaphore(%arg13 : memref<!tpu.dma_semaphore, #tpu.memory_space<semaphore_mem>>) src(%dma_wait3A_62 : memref<16x2048xf32, #tpu.memory_space<hbm>>) dst(%arg7 : memref<16x2048xf32, #tpu.memory_space<vmem>>)
    %scan3A_63 = arith.constant 0 : i32
    %scan3A_64 = arith.constant 0 : i32
    %scan3A_65 = arith.constant 128 : i32
    %scan3A_66 = arith.addi %scan3A_64, %scan3A_65 : i32
    %scan3A_67 = arith.constant 1 : i32
    scf.for %scan3A_88 = %scan3A_64 to %scan3A_66 step %scan3A_67  : i32 {
      %mul3A_89 = arith.constant 16 : i32
      %mul3A_90 = arith.muli %scan3A_88, %mul3A_89 : i32
      %add3A_91 = vector.broadcast %mul3A_90 : i32 to vector<16xi32>
      %add3A_92 = arith.addi %add3A_91, %iota3A : vector<16xi32>
      %mul3A_93 = arith.constant 16 : i32
      %mul3A_94 = arith.muli %scan3A_88, %mul3A_93 : i32
      %get3A = arith.constant 0 : i32
      %get3A_95 = arith.index_cast %get3A : i32 to index
      %get3A_96 = arith.index_cast %mul3A_94 : i32 to index
      %get3A_97 = tpu.vector_load %arg7[%get3A_95, %get3A_96] {strides = array<i32>} : memref<16x2048xf32, #tpu.memory_space<vmem>>, vector<16xf32>,
      tpu.vector_store_idx %arg8[%add3A_92, %broadcast_in_dim3A_28], %get3A_97 : memref<2048x16xf32, #tpu.memory_space<vmem>>[vector<16xi32>, vector<16xi32>], vector<16xf32>,
      %mul3A_98 = arith.constant 16 : i32
      %mul3A_99 = arith.muli %scan3A_88, %mul3A_98 : i32
      %get3A_100 = arith.constant 1 : i32
      %get3A_101 = arith.index_cast %get3A_100 : i32 to index
      %get3A_102 = arith.index_cast %mul3A_99 : i32 to index
      %get3A_103 = tpu.vector_load %arg7[%get3A_101, %get3A_102] {strides = array<i32>} : memref<16x2048xf32, #tpu.memory_space<vmem>>, vector<16xf32>,
      tpu.vector_store_idx %arg8[%add3A_92, %broadcast_in_dim3A_30], %get3A_103 : memref<2048x16xf32, #tpu.memory_space<vmem>>[vector<16xi32>, vector<16xi32>], vector<16xf32>,
      %mul3A_104 = arith.constant 16 : i32
      %mul3A_105 = arith.muli %scan3A_88, %mul3A_104 : i32
      %get3A_106 = arith.constant 2 : i32
      %get3A_107 = arith.index_cast %get3A_106 : i32 to index
      %get3A_108 = arith.index_cast %mul3A_105 : i32 to index
      %get3A_109 = tpu.vector_load %arg7[%get3A_107, %get3A_108] {strides = array<i32>} : memref<16x2048xf32, #tpu.memory_space<vmem>>, vector<16xf32>,
      tpu.vector_store_idx %arg8[%add3A_92, %broadcast_in_dim3A_32], %get3A_109 : memref<2048x16xf32, #tpu.memory_space<vmem>>[vector<16xi32>, vector<16xi32>], vector<16xf32>,
      %mul3A_110 = arith.constant 16 : i32
      %mul3A_111 = arith.muli %scan3A_88, %mul3A_110 : i32
      %get3A_112 = arith.constant 3 : i32
      %get3A_113 = arith.index_cast %get3A_112 : i32 to index
      %get3A_114 = arith.index_cast %mul3A_111 : i32 to index
      %get3A_115 = tpu.vector_load %arg7[%get3A_113, %get3A_114] {strides = array<i32>} : memref<16x2048xf32, #tpu.memory_space<vmem>>, vector<16xf32>,
      tpu.vector_store_idx %arg8[%add3A_92, %broadcast_in_dim3A_34], %get3A_115 : memref<2048x16xf32, #tpu.memory_space<vmem>>[vector<16xi32>, vector<16xi32>], vector<16xf32>,
      %mul3A_116 = arith.constant 16 : i32
      %mul3A_117 = arith.muli %scan3A_88, %mul3A_116 : i32
      %get3A_118 = arith.constant 4 : i32
      %get3A_119 = arith.index_cast %get3A_118 : i32 to index
      %get3A_120 = arith.index_cast %mul3A_117 : i32 to index
      %get3A_121 = tpu.vector_load %arg7[%get3A_119, %get3A_120] {strides = array<i32>} : memref<16x2048xf32, #tpu.memory_space<vmem>>, vector<16xf32>,
      tpu.vector_store_idx %arg8[%add3A_92, %broadcast_in_dim3A_36], %get3A_121 : memref<2048x16xf32, #tpu.memory_space<vmem>>[vector<16xi32>, vector<16xi32>], vector<16xf32>,
      %mul3A_122 = arith.constant 16 : i32
      %mul3A_123 = arith.muli %scan3A_88, %mul3A_122 : i32
      %get3A_124 = arith.constant 5 : i32
      %get3A_125 = arith.index_cast %get3A_124 : i32 to index
      %get3A_126 = arith.index_cast %mul3A_123 : i32 to index
      %get3A_127 = tpu.vector_load %arg7[%get3A_125, %get3A_126] {strides = array<i32>} : memref<16x2048xf32, #tpu.memory_space<vmem>>, vector<16xf32>,
      tpu.vector_store_idx %arg8[%add3A_92, %broadcast_in_dim3A_38], %get3A_127 : memref<2048x16xf32, #tpu.memory_space<vmem>>[vector<16xi32>, vector<16xi32>], vector<16xf32>,
      %mul3A_128 = arith.constant 16 : i32
      %mul3A_129 = arith.muli %scan3A_88, %mul3A_128 : i32
      %get3A_130 = arith.constant 6 : i32
      %get3A_131 = arith.index_cast %get3A_130 : i32 to index
      %get3A_132 = arith.index_cast %mul3A_129 : i32 to index
      %get3A_133 = tpu.vector_load %arg7[%get3A_131, %get3A_132] {strides = array<i32>} : memref<16x2048xf32, #tpu.memory_space<vmem>>, vector<16xf32>,
      tpu.vector_store_idx %arg8[%add3A_92, %broadcast_in_dim3A_40], %get3A_133 : memref<2048x16xf32, #tpu.memory_space<vmem>>[vector<16xi32>, vector<16xi32>], vector<16xf32>,
      %mul3A_134 = arith.constant 16 : i32
      %mul3A_135 = arith.muli %scan3A_88, %mul3A_134 : i32
      %get3A_136 = arith.constant 7 : i32
      %get3A_137 = arith.index_cast %get3A_136 : i32 to index
      %get3A_138 = arith.index_cast %mul3A_135 : i32 to index
      %get3A_139 = tpu.vector_load %arg7[%get3A_137, %get3A_138] {strides = array<i32>} : memref<16x2048xf32, #tpu.memory_space<vmem>>, vector<16xf32>,
      tpu.vector_store_idx %arg8[%add3A_92, %broadcast_in_dim3A_42], %get3A_139 : memref<2048x16xf32, #tpu.memory_space<vmem>>[vector<16xi32>, vector<16xi32>], vector<16xf32>,
      %mul3A_140 = arith.constant 16 : i32
      %mul3A_141 = arith.muli %scan3A_88, %mul3A_140 : i32
      %get3A_142 = arith.constant 8 : i32
      %get3A_143 = arith.index_cast %get3A_142 : i32 to index
      %get3A_144 = arith.index_cast %mul3A_141 : i32 to index
      %get3A_145 = tpu.vector_load %arg7[%get3A_143, %get3A_144] {strides = array<i32>} : memref<16x2048xf32, #tpu.memory_space<vmem>>, vector<16xf32>,
      tpu.vector_store_idx %arg8[%add3A_92, %broadcast_in_dim3A_44], %get3A_145 : memref<2048x16xf32, #tpu.memory_space<vmem>>[vector<16xi32>, vector<16xi32>], vector<16xf32>,
      %mul3A_146 = arith.constant 16 : i32
      %mul3A_147 = arith.muli %scan3A_88, %mul3A_146 : i32
      %get3A_148 = arith.constant 9 : i32
      %get3A_149 = arith.index_cast %get3A_148 : i32 to index
      %get3A_150 = arith.index_cast %mul3A_147 : i32 to index
      %get3A_151 = tpu.vector_load %arg7[%get3A_149, %get3A_150] {strides = array<i32>} : memref<16x2048xf32, #tpu.memory_space<vmem>>, vector<16xf32>,
      tpu.vector_store_idx %arg8[%add3A_92, %broadcast_in_dim3A_46], %get3A_151 : memref<2048x16xf32, #tpu.memory_space<vmem>>[vector<16xi32>, vector<16xi32>], vector<16xf32>,
      %mul3A_152 = arith.constant 16 : i32
      %mul3A_153 = arith.muli %scan3A_88, %mul3A_152 : i32
      %get3A_154 = arith.constant 10 : i32
      %get3A_155 = arith.index_cast %get3A_154 : i32 to index
      %get3A_156 = arith.index_cast %mul3A_153 : i32 to index
      %get3A_157 = tpu.vector_load %arg7[%get3A_155, %get3A_156] {strides = array<i32>} : memref<16x2048xf32, #tpu.memory_space<vmem>>, vector<16xf32>,
      tpu.vector_store_idx %arg8[%add3A_92, %broadcast_in_dim3A_48], %get3A_157 : memref<2048x16xf32, #tpu.memory_space<vmem>>[vector<16xi32>, vector<16xi32>], vector<16xf32>,
      %mul3A_158 = arith.constant 16 : i32
      %mul3A_159 = arith.muli %scan3A_88, %mul3A_158 : i32
      %get3A_160 = arith.constant 11 : i32
      %get3A_161 = arith.index_cast %get3A_160 : i32 to index
      %get3A_162 = arith.index_cast %mul3A_159 : i32 to index
      %get3A_163 = tpu.vector_load %arg7[%get3A_161, %get3A_162] {strides = array<i32>} : memref<16x2048xf32, #tpu.memory_space<vmem>>, vector<16xf32>,
      tpu.vector_store_idx %arg8[%add3A_92, %broadcast_in_dim3A_50], %get3A_163 : memref<2048x16xf32, #tpu.memory_space<vmem>>[vector<16xi32>, vector<16xi32>], vector<16xf32>,
      %mul3A_164 = arith.constant 16 : i32
      %mul3A_165 = arith.muli %scan3A_88, %mul3A_164 : i32
      %get3A_166 = arith.constant 12 : i32
      %get3A_167 = arith.index_cast %get3A_166 : i32 to index
      %get3A_168 = arith.index_cast %mul3A_165 : i32 to index
      %get3A_169 = tpu.vector_load %arg7[%get3A_167, %get3A_168] {strides = array<i32>} : memref<16x2048xf32, #tpu.memory_space<vmem>>, vector<16xf32>,
      tpu.vector_store_idx %arg8[%add3A_92, %broadcast_in_dim3A_52], %get3A_169 : memref<2048x16xf32, #tpu.memory_space<vmem>>[vector<16xi32>, vector<16xi32>], vector<16xf32>,
      %mul3A_170 = arith.constant 16 : i32
      %mul3A_171 = arith.muli %scan3A_88, %mul3A_170 : i32
      %get3A_172 = arith.constant 13 : i32
      %get3A_173 = arith.index_cast %get3A_172 : i32 to index
      %get3A_174 = arith.index_cast %mul3A_171 : i32 to index
      %get3A_175 = tpu.vector_load %arg7[%get3A_173, %get3A_174] {strides = array<i32>} : memref<16x2048xf32, #tpu.memory_space<vmem>>, vector<16xf32>,
      tpu.vector_store_idx %arg8[%add3A_92, %broadcast_in_dim3A_54], %get3A_175 : memref<2048x16xf32, #tpu.memory_space<vmem>>[vector<16xi32>, vector<16xi32>], vector<16xf32>,
      %mul3A_176 = arith.constant 16 : i32
      %mul3A_177 = arith.muli %scan3A_88, %mul3A_176 : i32
      %get3A_178 = arith.constant 14 : i32
      %get3A_179 = arith.index_cast %get3A_178 : i32 to index
      %get3A_180 = arith.index_cast %mul3A_177 : i32 to index
      %get3A_181 = tpu.vector_load %arg7[%get3A_179, %get3A_180] {strides = array<i32>} : memref<16x2048xf32, #tpu.memory_space<vmem>>, vector<16xf32>,
      tpu.vector_store_idx %arg8[%add3A_92, %broadcast_in_dim3A_56], %get3A_181 : memref<2048x16xf32, #tpu.memory_space<vmem>>[vector<16xi32>, vector<16xi32>], vector<16xf32>,
      %mul3A_182 = arith.constant 16 : i32
      %mul3A_183 = arith.muli %scan3A_88, %mul3A_182 : i32
      %get3A_184 = arith.constant 15 : i32
      %get3A_185 = arith.index_cast %get3A_184 : i32 to index
      %get3A_186 = arith.index_cast %mul3A_183 : i32 to index
      %get3A_187 = tpu.vector_load %arg7[%get3A_185, %get3A_186] {strides = array<i32>} : memref<16x2048xf32, #tpu.memory_space<vmem>>, vector<16xf32>,
      tpu.vector_store_idx %arg8[%add3A_92, %broadcast_in_dim3A_58], %get3A_187 : memref<2048x16xf32, #tpu.memory_space<vmem>>[vector<16xi32>, vector<16xi32>], vector<16xf32>,
      %jit3A = arith.constant 8 : i32
      %eq3A = arith.constant 0 : i32
      %eq3A_188 = arith.cmpi eq, %jit3A, %eq3A : i32
      %jit3A_189 = arith.constant 1 : i32
      %select_n3A = arith.select %eq3A_188, %jit3A_189, %jit3A : i32
      %rem3A = arith.remsi %scan3A_88, %select_n3A : i32
      %ne3A = arith.constant 0 : i32
      %ne3A_190 = arith.cmpi ne, %rem3A, %ne3A : i32
      %lt3A = arith.constant 0 : i32
      %lt3A_191 = arith.cmpi slt, %rem3A, %lt3A : i32
      %lt3A_192 = arith.constant 0 : i32
      %lt3A_193 = arith.cmpi slt, %select_n3A, %lt3A_192 : i32
      %ne3A_194 = arith.xori %lt3A_191, %lt3A_193 : i1
      %and3A = arith.andi %ne3A_194, %ne3A_190 : i1
      %add3A_195 = arith.addi %rem3A, %select_n3A : i32
      %select_n3A_196 = arith.select %and3A, %add3A_195, %rem3A : i32
      %eq3A_197 = arith.constant 7 : i32
      %eq3A_198 = arith.cmpi eq, %select_n3A_196, %eq3A_197 : i32
      %convert_element_type3A = arith.extui %eq3A_198 : i1 to i32
      %cond3A = arith.constant 0 : i32
      %cond3A_199 = arith.cmpi ne, %convert_element_type3A, %cond3A : i32
      scf.if %cond3A_199 {
        %jit3A_200 = arith.constant 8 : i32
        %div3A = arith.divsi %scan3A_88, %jit3A_200 : i32
        %sign3A = arith.constant 0 : i32
        %sign3A_201 = arith.cmpi sgt, %scan3A_88, %sign3A : i32
        %sign3A_202 = arith.extui %sign3A_201 : i1 to i32
        %sign3A_203 = arith.constant 0 : i32
        %sign3A_204 = arith.cmpi slt, %scan3A_88, %sign3A_203 : i32
        %sign3A_205 = arith.extui %sign3A_204 : i1 to i32
        %sign3A_206 = arith.subi %sign3A_202, %sign3A_205 : i32
        %sign3A_207 = arith.constant 0 : i32
        %sign3A_208 = arith.cmpi sgt, %jit3A_200, %sign3A_207 : i32
        %sign3A_209 = arith.extui %sign3A_208 : i1 to i32
        %sign3A_210 = arith.constant 0 : i32
        %sign3A_211 = arith.cmpi slt, %jit3A_200, %sign3A_210 : i32
        %sign3A_212 = arith.extui %sign3A_211 : i1 to i32
        %sign3A_213 = arith.subi %sign3A_209, %sign3A_212 : i32
        %ne3A_214 = arith.cmpi ne, %sign3A_206, %sign3A_213 : i32
        %rem3A_215 = arith.remsi %scan3A_88, %jit3A_200 : i32
        %ne3A_216 = arith.constant 0 : i32
        %ne3A_217 = arith.cmpi ne, %rem3A_215, %ne3A_216 : i32
        %and3A_218 = arith.andi %ne3A_214, %ne3A_217 : i1
        %sub3A = arith.constant 1 : i32
        %sub3A_219 = arith.subi %div3A, %sub3A : i32
        %select_n3A_220 = arith.select %and3A_218, %sub3A_219, %div3A : i32
        %mul3A_221 = arith.constant 128 : i32
        %mul3A_222 = arith.muli %select_n3A_220, %mul3A_221 : i32
        %dma_start3A_223 = arith.constant 0 : i32
        %dma_start3A_224 = tpu.memref_slice %arg8[%mul3A_222, %dma_start3A_223] : memref<2048x16xf32, #tpu.memory_space<vmem>> -> memref<128x16xf32, #tpu.memory_space<vmem>>
        %dma_start3A_225 = arith.constant 0 : i32
        %dma_start3A_226 = tpu.memref_slice %arg6[%select_n3A_220, %dma_start3A_225] : memref<16x128xi32, #tpu.memory_space<vmem>> -> memref<1x128xi32, #tpu.memory_space<vmem>>
        %dma_start3A_227 = tpu.memref_squeeze %dma_start3A_226 : memref<1x128xi32, #tpu.memory_space<vmem>> -> memref<128xi32, #tpu.memory_space<vmem>>
        %dma_start3A_228 = arith.constant 0 : i32
        %dma_start3A_229 = arith.constant 0 : i32
        %dma_start3A_230 = tpu.memref_slice %arg11[%dma_start3A_228, %dma_start3A_229] : memref<2048x16xf32, #tpu.memory_space<vmem_shared>> -> memref<2048x16xf32, #tpu.memory_space<vmem_shared>>
        tpu.enqueue_indirect_dma source(%dma_start3A_224 : memref<128x16xf32, #tpu.memory_space<vmem>>) target(%dma_start3A_230 : memref<2048x16xf32, #tpu.memory_space<vmem_shared>>) offsets(%dma_start3A_227 : memref<128xi32, #tpu.memory_space<vmem>>) semaphore(%arg14 : memref<!tpu.dma_semaphore, #tpu.memory_space<semaphore_mem>>) {add = true}
      } else {
      }
    }
    %scan3A_68 = arith.constant 128 : i32
    "tpu.trace_stop"() : () -> ()
    "tpu.trace_start"() <{level = 10 : i32, message = "scatter"}> : () -> ()
    %scan3A_69 = arith.constant 0 : i32
    %scan3A_70 = arith.constant 0 : i32
    %scan3A_71 = arith.constant 16 : i32
    %scan3A_72 = arith.addi %scan3A_70, %scan3A_71 : i32
    %scan3A_73 = arith.constant 1 : i32
    scf.for %scan3A_88 = %scan3A_70 to %scan3A_72 step %scan3A_73  : i32 {
      %dma_wait3A_89 = arith.constant 0 : i32
      %dma_wait3A_90 = arith.constant 0 : i32
      %dma_wait3A_91 = arith.constant 0 : i32
      %dma_wait3A_92 = tpu.memref_slice %arg8[%dma_wait3A_90, %dma_wait3A_91] : memref<2048x16xf32, #tpu.memory_space<vmem>> -> memref<128x16xf32, #tpu.memory_space<vmem>>
      %dma_wait3A_93 = arith.constant 0 : i32
      %dma_wait3A_94 = tpu.memref_slice %arg6[%dma_wait3A_89, %dma_wait3A_93] : memref<16x128xi32, #tpu.memory_space<vmem>> -> memref<1x128xi32, #tpu.memory_space<vmem>>
      %dma_wait3A_95 = tpu.memref_squeeze %dma_wait3A_94 : memref<1x128xi32, #tpu.memory_space<vmem>> -> memref<128xi32, #tpu.memory_space<vmem>>
      %dma_wait3A_96 = arith.constant 0 : i32
      %dma_wait3A_97 = arith.constant 0 : i32
      %dma_wait3A_98 = tpu.memref_slice %arg11[%dma_wait3A_96, %dma_wait3A_97] : memref<2048x16xf32, #tpu.memory_space<vmem_shared>> -> memref<2048x16xf32, #tpu.memory_space<vmem_shared>>
      tpu.wait_indirect_dma semaphore(%arg14 : memref<!tpu.dma_semaphore, #tpu.memory_space<semaphore_mem>>) src(%dma_wait3A_92 : memref<128x16xf32, #tpu.memory_space<vmem>>) dst(%dma_wait3A_98 : memref<2048x16xf32, #tpu.memory_space<vmem_shared>>)
    }
    %scan3A_74 = arith.constant 16 : i32
    "tpu.trace_stop"() : () -> ()
    %barrier3A_75 = arith.constant 0 : index
    tpu.barrier barrier_id(%barrier3A_75)
    "tpu.trace_start"() <{level = 10 : i32, message = "writeout"}> : () -> ()
    %mul3A_76 = arith.constant 128 : i32
    %mul3A_77 = arith.muli %arg1, %mul3A_76 : i32
    "tpu.region"() ({
      %run_scoped3A = tpu.sem_alloc : memref<!tpu.dma_semaphore, #tpu.memory_space<semaphore_mem>>
      %dma_start3A_88 = arith.constant 0 : i32
      %dma_start3A_89 = tpu.memref_slice %arg11[%mul3A_77, %dma_start3A_88] : memref<2048x16xf32, #tpu.memory_space<vmem_shared>> -> memref<128x16xf32, #tpu.memory_space<vmem_shared>>
      %dma_start3A_90 = arith.constant 0 : i32
      %dma_start3A_91 = tpu.memref_slice %arg11[%mul3A_77, %dma_start3A_90] : memref<2048x16xf32, #tpu.memory_space<vmem_shared>> -> memref<128x16xf32, #tpu.memory_space<vmem_shared>>
      tpu.enqueue_dma source(%dma_start3A_91 : memref<128x16xf32, #tpu.memory_space<vmem_shared>>) target(%arg9 : memref<128x16xf32, #tpu.memory_space<vmem>>) target_semaphore(%run_scoped3A : memref<!tpu.dma_semaphore, #tpu.memory_space<semaphore_mem>>)
      %dma_wait3A_92 = arith.constant 0 : i32
      %dma_wait3A_93 = tpu.memref_slice %arg11[%mul3A_77, %dma_wait3A_92] : memref<2048x16xf32, #tpu.memory_space<vmem_shared>> -> memref<128x16xf32, #tpu.memory_space<vmem_shared>>
      %dma_wait3A_94 = arith.constant 0 : i32
      %dma_wait3A_95 = tpu.memref_slice %arg11[%mul3A_77, %dma_wait3A_94] : memref<2048x16xf32, #tpu.memory_space<vmem_shared>> -> memref<128x16xf32, #tpu.memory_space<vmem_shared>>
      tpu.wait_dma2 semaphore(%run_scoped3A : memref<!tpu.dma_semaphore, #tpu.memory_space<semaphore_mem>>) src(%dma_wait3A_95 : memref<128x16xf32, #tpu.memory_space<vmem_shared>>) dst(%arg9 : memref<128x16xf32, #tpu.memory_space<vmem>>)
      tpu.yield
    }) : () -> ()
    %scan3A_78 = arith.constant 0 : i32
    %scan3A_79 = arith.constant 0 : i32
    %scan3A_80 = arith.constant 8 : i32
    %scan3A_81 = arith.addi %scan3A_79, %scan3A_80 : i32
    %scan3A_82 = arith.constant 1 : i32
    scf.for %scan3A_88 = %scan3A_79 to %scan3A_81 step %scan3A_82  : i32 {
      %mul3A_89 = arith.constant 16 : i32
      %mul3A_90 = arith.muli %scan3A_88, %mul3A_89 : i32
      %add3A_91 = vector.broadcast %mul3A_90 : i32 to vector<16xi32>
      %add3A_92 = arith.addi %add3A_91, %iota3A : vector<16xi32>
      %broadcast_in_dim3A_93 = arith.constant 0 : i32
      %broadcast_in_dim3A_94 = vector.broadcast %broadcast_in_dim3A_93 : i32 to vector<16xi32>
      %gather3A = tpu.vector_load_idx %arg9[%add3A_92, %broadcast_in_dim3A_94] : memref<128x16xf32, #tpu.memory_space<vmem>>[vector<16xi32>, vector<16xi32>], vector<16xf32>,
      %mul3A_95 = arith.constant 16 : i32
      %mul3A_96 = arith.muli %scan3A_88, %mul3A_95 : i32
      %swap3A = arith.constant 0 : i32
      %swap3A_97 = arith.index_cast %swap3A : i32 to index
      %swap3A_98 = arith.index_cast %mul3A_96 : i32 to index
      %swap3A_99 = tpu.vector_load %arg10[%swap3A_97, %swap3A_98] {strides = array<i32>} : memref<16x128xf32, #tpu.memory_space<vmem>>, vector<16xf32>,
      tpu.vector_store %arg10[%swap3A_97, %swap3A_98], %gather3A {strides = array<i32>} : memref<16x128xf32, #tpu.memory_space<vmem>>, vector<16xf32>,
      %broadcast_in_dim3A_100 = arith.constant 1 : i32
      %broadcast_in_dim3A_101 = vector.broadcast %broadcast_in_dim3A_100 : i32 to vector<16xi32>
      %gather3A_102 = tpu.vector_load_idx %arg9[%add3A_92, %broadcast_in_dim3A_101] : memref<128x16xf32, #tpu.memory_space<vmem>>[vector<16xi32>, vector<16xi32>], vector<16xf32>,
      %mul3A_103 = arith.constant 16 : i32
      %mul3A_104 = arith.muli %scan3A_88, %mul3A_103 : i32
      %swap3A_105 = arith.constant 1 : i32
      %swap3A_106 = arith.index_cast %swap3A_105 : i32 to index
      %swap3A_107 = arith.index_cast %mul3A_104 : i32 to index
      %swap3A_108 = tpu.vector_load %arg10[%swap3A_106, %swap3A_107] {strides = array<i32>} : memref<16x128xf32, #tpu.memory_space<vmem>>, vector<16xf32>,
      tpu.vector_store %arg10[%swap3A_106, %swap3A_107], %gather3A_102 {strides = array<i32>} : memref<16x128xf32, #tpu.memory_space<vmem>>, vector<16xf32>,
      %broadcast_in_dim3A_109 = arith.constant 2 : i32
      %broadcast_in_dim3A_110 = vector.broadcast %broadcast_in_dim3A_109 : i32 to vector<16xi32>
      %gather3A_111 = tpu.vector_load_idx %arg9[%add3A_92, %broadcast_in_dim3A_110] : memref<128x16xf32, #tpu.memory_space<vmem>>[vector<16xi32>, vector<16xi32>], vector<16xf32>,
      %mul3A_112 = arith.constant 16 : i32
      %mul3A_113 = arith.muli %scan3A_88, %mul3A_112 : i32
      %swap3A_114 = arith.constant 2 : i32
      %swap3A_115 = arith.index_cast %swap3A_114 : i32 to index
      %swap3A_116 = arith.index_cast %mul3A_113 : i32 to index
      %swap3A_117 = tpu.vector_load %arg10[%swap3A_115, %swap3A_116] {strides = array<i32>} : memref<16x128xf32, #tpu.memory_space<vmem>>, vector<16xf32>,
      tpu.vector_store %arg10[%swap3A_115, %swap3A_116], %gather3A_111 {strides = array<i32>} : memref<16x128xf32, #tpu.memory_space<vmem>>, vector<16xf32>,
      %broadcast_in_dim3A_118 = arith.constant 3 : i32
      %broadcast_in_dim3A_119 = vector.broadcast %broadcast_in_dim3A_118 : i32 to vector<16xi32>
      %gather3A_120 = tpu.vector_load_idx %arg9[%add3A_92, %broadcast_in_dim3A_119] : memref<128x16xf32, #tpu.memory_space<vmem>>[vector<16xi32>, vector<16xi32>], vector<16xf32>,
      %mul3A_121 = arith.constant 16 : i32
      %mul3A_122 = arith.muli %scan3A_88, %mul3A_121 : i32
      %swap3A_123 = arith.constant 3 : i32
      %swap3A_124 = arith.index_cast %swap3A_123 : i32 to index
      %swap3A_125 = arith.index_cast %mul3A_122 : i32 to index
      %swap3A_126 = tpu.vector_load %arg10[%swap3A_124, %swap3A_125] {strides = array<i32>} : memref<16x128xf32, #tpu.memory_space<vmem>>, vector<16xf32>,
      tpu.vector_store %arg10[%swap3A_124, %swap3A_125], %gather3A_120 {strides = array<i32>} : memref<16x128xf32, #tpu.memory_space<vmem>>, vector<16xf32>,
      %broadcast_in_dim3A_127 = arith.constant 4 : i32
      %broadcast_in_dim3A_128 = vector.broadcast %broadcast_in_dim3A_127 : i32 to vector<16xi32>
      %gather3A_129 = tpu.vector_load_idx %arg9[%add3A_92, %broadcast_in_dim3A_128] : memref<128x16xf32, #tpu.memory_space<vmem>>[vector<16xi32>, vector<16xi32>], vector<16xf32>,
      %mul3A_130 = arith.constant 16 : i32
      %mul3A_131 = arith.muli %scan3A_88, %mul3A_130 : i32
      %swap3A_132 = arith.constant 4 : i32
      %swap3A_133 = arith.index_cast %swap3A_132 : i32 to index
      %swap3A_134 = arith.index_cast %mul3A_131 : i32 to index
      %swap3A_135 = tpu.vector_load %arg10[%swap3A_133, %swap3A_134] {strides = array<i32>} : memref<16x128xf32, #tpu.memory_space<vmem>>, vector<16xf32>,
      tpu.vector_store %arg10[%swap3A_133, %swap3A_134], %gather3A_129 {strides = array<i32>} : memref<16x128xf32, #tpu.memory_space<vmem>>, vector<16xf32>,
      %broadcast_in_dim3A_136 = arith.constant 5 : i32
      %broadcast_in_dim3A_137 = vector.broadcast %broadcast_in_dim3A_136 : i32 to vector<16xi32>
      %gather3A_138 = tpu.vector_load_idx %arg9[%add3A_92, %broadcast_in_dim3A_137] : memref<128x16xf32, #tpu.memory_space<vmem>>[vector<16xi32>, vector<16xi32>], vector<16xf32>,
      %mul3A_139 = arith.constant 16 : i32
      %mul3A_140 = arith.muli %scan3A_88, %mul3A_139 : i32
      %swap3A_141 = arith.constant 5 : i32
      %swap3A_142 = arith.index_cast %swap3A_141 : i32 to index
      %swap3A_143 = arith.index_cast %mul3A_140 : i32 to index
      %swap3A_144 = tpu.vector_load %arg10[%swap3A_142, %swap3A_143] {strides = array<i32>} : memref<16x128xf32, #tpu.memory_space<vmem>>, vector<16xf32>,
      tpu.vector_store %arg10[%swap3A_142, %swap3A_143], %gather3A_138 {strides = array<i32>} : memref<16x128xf32, #tpu.memory_space<vmem>>, vector<16xf32>,
      %broadcast_in_dim3A_145 = arith.constant 6 : i32
      %broadcast_in_dim3A_146 = vector.broadcast %broadcast_in_dim3A_145 : i32 to vector<16xi32>
      %gather3A_147 = tpu.vector_load_idx %arg9[%add3A_92, %broadcast_in_dim3A_146] : memref<128x16xf32, #tpu.memory_space<vmem>>[vector<16xi32>, vector<16xi32>], vector<16xf32>,
      %mul3A_148 = arith.constant 16 : i32
      %mul3A_149 = arith.muli %scan3A_88, %mul3A_148 : i32
      %swap3A_150 = arith.constant 6 : i32
      %swap3A_151 = arith.index_cast %swap3A_150 : i32 to index
      %swap3A_152 = arith.index_cast %mul3A_149 : i32 to index
      %swap3A_153 = tpu.vector_load %arg10[%swap3A_151, %swap3A_152] {strides = array<i32>} : memref<16x128xf32, #tpu.memory_space<vmem>>, vector<16xf32>,
      tpu.vector_store %arg10[%swap3A_151, %swap3A_152], %gather3A_147 {strides = array<i32>} : memref<16x128xf32, #tpu.memory_space<vmem>>, vector<16xf32>,
      %broadcast_in_dim3A_154 = arith.constant 7 : i32
      %broadcast_in_dim3A_155 = vector.broadcast %broadcast_in_dim3A_154 : i32 to vector<16xi32>
      %gather3A_156 = tpu.vector_load_idx %arg9[%add3A_92, %broadcast_in_dim3A_155] : memref<128x16xf32, #tpu.memory_space<vmem>>[vector<16xi32>, vector<16xi32>], vector<16xf32>,
      %mul3A_157 = arith.constant 16 : i32
      %mul3A_158 = arith.muli %scan3A_88, %mul3A_157 : i32
      %swap3A_159 = arith.constant 7 : i32
      %swap3A_160 = arith.index_cast %swap3A_159 : i32 to index
      %swap3A_161 = arith.index_cast %mul3A_158 : i32 to index
      %swap3A_162 = tpu.vector_load %arg10[%swap3A_160, %swap3A_161] {strides = array<i32>} : memref<16x128xf32, #tpu.memory_space<vmem>>, vector<16xf32>,
      tpu.vector_store %arg10[%swap3A_160, %swap3A_161], %gather3A_156 {strides = array<i32>} : memref<16x128xf32, #tpu.memory_space<vmem>>, vector<16xf32>,
      %broadcast_in_dim3A_163 = arith.constant 8 : i32
      %broadcast_in_dim3A_164 = vector.broadcast %broadcast_in_dim3A_163 : i32 to vector<16xi32>
      %gather3A_165 = tpu.vector_load_idx %arg9[%add3A_92, %broadcast_in_dim3A_164] : memref<128x16xf32, #tpu.memory_space<vmem>>[vector<16xi32>, vector<16xi32>], vector<16xf32>,
      %mul3A_166 = arith.constant 16 : i32
      %mul3A_167 = arith.muli %scan3A_88, %mul3A_166 : i32
      %swap3A_168 = arith.constant 8 : i32
      %swap3A_169 = arith.index_cast %swap3A_168 : i32 to index
      %swap3A_170 = arith.index_cast %mul3A_167 : i32 to index
      %swap3A_171 = tpu.vector_load %arg10[%swap3A_169, %swap3A_170] {strides = array<i32>} : memref<16x128xf32, #tpu.memory_space<vmem>>, vector<16xf32>,
      tpu.vector_store %arg10[%swap3A_169, %swap3A_170], %gather3A_165 {strides = array<i32>} : memref<16x128xf32, #tpu.memory_space<vmem>>, vector<16xf32>,
      %broadcast_in_dim3A_172 = arith.constant 9 : i32
      %broadcast_in_dim3A_173 = vector.broadcast %broadcast_in_dim3A_172 : i32 to vector<16xi32>
      %gather3A_174 = tpu.vector_load_idx %arg9[%add3A_92, %broadcast_in_dim3A_173] : memref<128x16xf32, #tpu.memory_space<vmem>>[vector<16xi32>, vector<16xi32>], vector<16xf32>,
      %mul3A_175 = arith.constant 16 : i32
      %mul3A_176 = arith.muli %scan3A_88, %mul3A_175 : i32
      %swap3A_177 = arith.constant 9 : i32
      %swap3A_178 = arith.index_cast %swap3A_177 : i32 to index
      %swap3A_179 = arith.index_cast %mul3A_176 : i32 to index
      %swap3A_180 = tpu.vector_load %arg10[%swap3A_178, %swap3A_179] {strides = array<i32>} : memref<16x128xf32, #tpu.memory_space<vmem>>, vector<16xf32>,
      tpu.vector_store %arg10[%swap3A_178, %swap3A_179], %gather3A_174 {strides = array<i32>} : memref<16x128xf32, #tpu.memory_space<vmem>>, vector<16xf32>,
      %broadcast_in_dim3A_181 = arith.constant 10 : i32
      %broadcast_in_dim3A_182 = vector.broadcast %broadcast_in_dim3A_181 : i32 to vector<16xi32>
      %gather3A_183 = tpu.vector_load_idx %arg9[%add3A_92, %broadcast_in_dim3A_182] : memref<128x16xf32, #tpu.memory_space<vmem>>[vector<16xi32>, vector<16xi32>], vector<16xf32>,
      %mul3A_184 = arith.constant 16 : i32
      %mul3A_185 = arith.muli %scan3A_88, %mul3A_184 : i32
      %swap3A_186 = arith.constant 10 : i32
      %swap3A_187 = arith.index_cast %swap3A_186 : i32 to index
      %swap3A_188 = arith.index_cast %mul3A_185 : i32 to index
      %swap3A_189 = tpu.vector_load %arg10[%swap3A_187, %swap3A_188] {strides = array<i32>} : memref<16x128xf32, #tpu.memory_space<vmem>>, vector<16xf32>,
      tpu.vector_store %arg10[%swap3A_187, %swap3A_188], %gather3A_183 {strides = array<i32>} : memref<16x128xf32, #tpu.memory_space<vmem>>, vector<16xf32>,
      %broadcast_in_dim3A_190 = arith.constant 11 : i32
      %broadcast_in_dim3A_191 = vector.broadcast %broadcast_in_dim3A_190 : i32 to vector<16xi32>
      %gather3A_192 = tpu.vector_load_idx %arg9[%add3A_92, %broadcast_in_dim3A_191] : memref<128x16xf32, #tpu.memory_space<vmem>>[vector<16xi32>, vector<16xi32>], vector<16xf32>,
      %mul3A_193 = arith.constant 16 : i32
      %mul3A_194 = arith.muli %scan3A_88, %mul3A_193 : i32
      %swap3A_195 = arith.constant 11 : i32
      %swap3A_196 = arith.index_cast %swap3A_195 : i32 to index
      %swap3A_197 = arith.index_cast %mul3A_194 : i32 to index
      %swap3A_198 = tpu.vector_load %arg10[%swap3A_196, %swap3A_197] {strides = array<i32>} : memref<16x128xf32, #tpu.memory_space<vmem>>, vector<16xf32>,
      tpu.vector_store %arg10[%swap3A_196, %swap3A_197], %gather3A_192 {strides = array<i32>} : memref<16x128xf32, #tpu.memory_space<vmem>>, vector<16xf32>,
      %broadcast_in_dim3A_199 = arith.constant 12 : i32
      %broadcast_in_dim3A_200 = vector.broadcast %broadcast_in_dim3A_199 : i32 to vector<16xi32>
      %gather3A_201 = tpu.vector_load_idx %arg9[%add3A_92, %broadcast_in_dim3A_200] : memref<128x16xf32, #tpu.memory_space<vmem>>[vector<16xi32>, vector<16xi32>], vector<16xf32>,
      %mul3A_202 = arith.constant 16 : i32
      %mul3A_203 = arith.muli %scan3A_88, %mul3A_202 : i32
      %swap3A_204 = arith.constant 12 : i32
      %swap3A_205 = arith.index_cast %swap3A_204 : i32 to index
      %swap3A_206 = arith.index_cast %mul3A_203 : i32 to index
      %swap3A_207 = tpu.vector_load %arg10[%swap3A_205, %swap3A_206] {strides = array<i32>} : memref<16x128xf32, #tpu.memory_space<vmem>>, vector<16xf32>,
      tpu.vector_store %arg10[%swap3A_205, %swap3A_206], %gather3A_201 {strides = array<i32>} : memref<16x128xf32, #tpu.memory_space<vmem>>, vector<16xf32>,
      %broadcast_in_dim3A_208 = arith.constant 13 : i32
      %broadcast_in_dim3A_209 = vector.broadcast %broadcast_in_dim3A_208 : i32 to vector<16xi32>
      %gather3A_210 = tpu.vector_load_idx %arg9[%add3A_92, %broadcast_in_dim3A_209] : memref<128x16xf32, #tpu.memory_space<vmem>>[vector<16xi32>, vector<16xi32>], vector<16xf32>,
      %mul3A_211 = arith.constant 16 : i32
      %mul3A_212 = arith.muli %scan3A_88, %mul3A_211 : i32
      %swap3A_213 = arith.constant 13 : i32
      %swap3A_214 = arith.index_cast %swap3A_213 : i32 to index
      %swap3A_215 = arith.index_cast %mul3A_212 : i32 to index
      %swap3A_216 = tpu.vector_load %arg10[%swap3A_214, %swap3A_215] {strides = array<i32>} : memref<16x128xf32, #tpu.memory_space<vmem>>, vector<16xf32>,
      tpu.vector_store %arg10[%swap3A_214, %swap3A_215], %gather3A_210 {strides = array<i32>} : memref<16x128xf32, #tpu.memory_space<vmem>>, vector<16xf32>,
      %broadcast_in_dim3A_217 = arith.constant 14 : i32
      %broadcast_in_dim3A_218 = vector.broadcast %broadcast_in_dim3A_217 : i32 to vector<16xi32>
      %gather3A_219 = tpu.vector_load_idx %arg9[%add3A_92, %broadcast_in_dim3A_218] : memref<128x16xf32, #tpu.memory_space<vmem>>[vector<16xi32>, vector<16xi32>], vector<16xf32>,
      %mul3A_220 = arith.constant 16 : i32
      %mul3A_221 = arith.muli %scan3A_88, %mul3A_220 : i32
      %swap3A_222 = arith.constant 14 : i32
      %swap3A_223 = arith.index_cast %swap3A_222 : i32 to index
      %swap3A_224 = arith.index_cast %mul3A_221 : i32 to index
      %swap3A_225 = tpu.vector_load %arg10[%swap3A_223, %swap3A_224] {strides = array<i32>} : memref<16x128xf32, #tpu.memory_space<vmem>>, vector<16xf32>,
      tpu.vector_store %arg10[%swap3A_223, %swap3A_224], %gather3A_219 {strides = array<i32>} : memref<16x128xf32, #tpu.memory_space<vmem>>, vector<16xf32>,
      %broadcast_in_dim3A_226 = arith.constant 15 : i32
      %broadcast_in_dim3A_227 = vector.broadcast %broadcast_in_dim3A_226 : i32 to vector<16xi32>
      %gather3A_228 = tpu.vector_load_idx %arg9[%add3A_92, %broadcast_in_dim3A_227] : memref<128x16xf32, #tpu.memory_space<vmem>>[vector<16xi32>, vector<16xi32>], vector<16xf32>,
      %mul3A_229 = arith.constant 16 : i32
      %mul3A_230 = arith.muli %scan3A_88, %mul3A_229 : i32
      %swap3A_231 = arith.constant 15 : i32
      %swap3A_232 = arith.index_cast %swap3A_231 : i32 to index
      %swap3A_233 = arith.index_cast %mul3A_230 : i32 to index
      %swap3A_234 = tpu.vector_load %arg10[%swap3A_232, %swap3A_233] {strides = array<i32>} : memref<16x128xf32, #tpu.memory_space<vmem>>, vector<16xf32>,
      tpu.vector_store %arg10[%swap3A_232, %swap3A_233], %gather3A_228 {strides = array<i32>} : memref<16x128xf32, #tpu.memory_space<vmem>>, vector<16xf32>,
    }
    %scan3A_83 = arith.constant 8 : i32
    %mul3A_84 = arith.constant 16 : i32
    %mul3A_85 = arith.muli %arg0, %mul3A_84 : i32
    %mul3A_86 = arith.constant 128 : i32
    %mul3A_87 = arith.muli %arg1, %mul3A_86 : i32
    "tpu.region"() ({
      %run_scoped3A = tpu.sem_alloc : memref<!tpu.dma_semaphore, #tpu.memory_space<semaphore_mem>>
      %dma_start3A_88 = tpu.memref_slice %arg4[%mul3A_85, %mul3A_87] : memref<32x2048xf32, #tpu.memory_space<hbm>> -> memref<16x128xf32, #tpu.memory_space<hbm>>
      %dma_start3A_89 = tpu.memref_slice %arg4[%mul3A_85, %mul3A_87] : memref<32x2048xf32, #tpu.memory_space<hbm>> -> memref<16x128xf32, #tpu.memory_space<hbm>>
      tpu.enqueue_dma source(%arg10 : memref<16x128xf32, #tpu.memory_space<vmem>>) target(%dma_start3A_89 : memref<16x128xf32, #tpu.memory_space<hbm>>) target_semaphore(%run_scoped3A : memref<!tpu.dma_semaphore, #tpu.memory_space<semaphore_mem>>)
      %dma_wait3A_90 = tpu.memref_slice %arg4[%mul3A_85, %mul3A_87] : memref<32x2048xf32, #tpu.memory_space<hbm>> -> memref<16x128xf32, #tpu.memory_space<hbm>>
      %dma_wait3A_91 = tpu.memref_slice %arg4[%mul3A_85, %mul3A_87] : memref<32x2048xf32, #tpu.memory_space<hbm>> -> memref<16x128xf32, #tpu.memory_space<hbm>>
      tpu.wait_dma2 semaphore(%run_scoped3A : memref<!tpu.dma_semaphore, #tpu.memory_space<semaphore_mem>>) src(%arg10 : memref<16x128xf32, #tpu.memory_space<vmem>>) dst(%dma_wait3A_91 : memref<16x128xf32, #tpu.memory_space<hbm>>)
      tpu.yield
    }) : () -> ()
    "tpu.trace_stop"() : () -> ()
    return
  }
}

module attributes {stable_mosaic.version = 14 : i64} {
  func.func @body(%arg0: i32, %arg1: memref<2048x512xf32, #tpu.memory_space<vmem>>, %arg2: memref<512x512xf32, #tpu.memory_space<vmem>>, %arg3: memref<512xf32, #tpu.memory_space<vmem>>, %arg4: memref<2048x512xf32, #tpu.memory_space<vmem>>) attributes {dimension_semantics = [#tpu.dimension_semantics<arbitrary>], iteration_bounds = array<i64: 1>, scalar_prefetch = 0 : i64, scratch_operands = 0 : i64, tpu.core_type = #tpu.core_type<tc>, window_params = [{pipeline_mode = #tpu.pipeline_mode<synchronous>, transform_indices = @transform_0, window_bounds = array<i64: 2048, 512>}, {pipeline_mode = #tpu.pipeline_mode<synchronous>, transform_indices = @transform_1, window_bounds = array<i64: 512, 512>}, {pipeline_mode = #tpu.pipeline_mode<synchronous>, transform_indices = @transform_2, window_bounds = array<i64: 512>}, {transform_indices = @transform_3, window_bounds = array<i64: 2048, 512>}]} {
    %get3A = arith.constant 0 : index
    %get3A_0 = arith.constant 0 : index
    %get3A_1 = vector.load %arg1[%get3A, %get3A_0] : memref<2048x512xf32, #tpu.memory_space<vmem>>, vector<2048x512xf32>
    %get3A_2 = arith.constant 0 : index
    %get3A_3 = arith.constant 0 : index
    %get3A_4 = vector.load %arg2[%get3A_2, %get3A_3] : memref<512x512xf32, #tpu.memory_space<vmem>>, vector<512x512xf32>
    %dot_general3A = arith.constant dense<0.000000e+00> : vector<2048x512xf32>
    %dot_general3A_5 = tpu.matmul %get3A_1, %get3A_4, %dot_general3A {dimension_numbers = #tpu.dot_dimension_numbers<[1], [1], [0], [0], [0, 0, 1, 0], [], []>, transpose_lhs_hint = false} : vector<2048x512xf32>, vector<512x512xf32>, vector<2048x512xf32> -> vector<2048x512xf32>
    %get3A_6 = arith.constant 0 : index
    %get3A_7 = vector.load %arg3[%get3A_6] : memref<512xf32, #tpu.memory_space<vmem>>, vector<512xf32>
    %broadcast_in_dim3A = vector.shape_cast %get3A_7 : vector<512xf32> to vector<1x512xf32>
    %add3A = vector.broadcast %broadcast_in_dim3A : vector<1x512xf32> to vector<2048x512xf32>
    %add3A_8 = arith.addf %dot_general3A_5, %add3A : vector<2048x512xf32>
    %swap3A = arith.constant 0 : index
    %swap3A_9 = arith.constant 0 : index
    %swap3A_10 = vector.load %arg4[%swap3A, %swap3A_9] : memref<2048x512xf32, #tpu.memory_space<vmem>>, vector<2048x512xf32>
    tpu.vector_store %arg4[%swap3A, %swap3A_9], %add3A_8 {strides = array<i32>} : memref<2048x512xf32, #tpu.memory_space<vmem>>, vector<2048x512xf32>,
    return
  }
  func.func @transform_0(%arg0: i32) -> (i32, i32) {
    %c0_i32 = arith.constant 0 : i32
    %c0_i32_0 = arith.constant 0 : i32
    %c0_i32_1 = arith.constant 0 : i32
    return %c0_i32, %c0_i32_0 : i32, i32
  }
  func.func @transform_1(%arg0: i32) -> (i32, i32) {
    %c0_i32 = arith.constant 0 : i32
    %c0_i32_0 = arith.constant 0 : i32
    %c0_i32_1 = arith.constant 0 : i32
    return %c0_i32, %c0_i32_0 : i32, i32
  }
  func.func @transform_2(%arg0: i32) -> i32 {
    %c0_i32 = arith.constant 0 : i32
    %c0_i32_0 = arith.constant 0 : i32
    return %c0_i32 : i32
  }
  func.func @transform_3(%arg0: i32) -> (i32, i32) {
    %c0_i32 = arith.constant 0 : i32
    %c0_i32_0 = arith.constant 0 : i32
    %c0_i32_1 = arith.constant 0 : i32
    return %c0_i32, %c0_i32_0 : i32, i32
  }
}

module attributes {stable_mosaic.version = 14 : i64} {
  func.func @body(%arg0: i32, %arg1: memref<2048x768xf32, #tpu.memory_space<any>>, %arg2: memref<32x2048xf32, #tpu.memory_space<vmem>>, %arg3: memref<256x16xf32, #tpu.memory_space<vmem>>, %arg4: memref<256xf32, #tpu.memory_space<vmem>>, %arg5: memref<2048x256xf32, #tpu.memory_space<vmem>>) attributes {dimension_semantics = [#tpu.dimension_semantics<arbitrary>], iteration_bounds = array<i64: 1>, scalar_prefetch = 0 : i64, scratch_operands = 0 : i64, tpu.core_type = #tpu.core_type<tc>, window_params = [{}, {pipeline_mode = #tpu.pipeline_mode<synchronous>, transform_indices = @transform_1, window_bounds = array<i64: 32, 2048>}, {pipeline_mode = #tpu.pipeline_mode<synchronous>, transform_indices = @transform_2, window_bounds = array<i64: 256, 16>}, {pipeline_mode = #tpu.pipeline_mode<synchronous>, transform_indices = @transform_3, window_bounds = array<i64: 256>}, {transform_indices = @transform_4, window_bounds = array<i64: 2048, 256>}]} {
    %get3A = arith.constant 0 : index
    %get3A_0 = arith.constant 0 : index
    %get3A_1 = vector.load %arg2[%get3A, %get3A_0] : memref<32x2048xf32, #tpu.memory_space<vmem>>, vector<16x2048xf32>
    %get3A_2 = arith.constant 16 : index
    %get3A_3 = arith.constant 0 : index
    %get3A_4 = vector.load %arg2[%get3A_2, %get3A_3] : memref<32x2048xf32, #tpu.memory_space<vmem>>, vector<16x2048xf32>
    %add3A = arith.addf %get3A_1, %get3A_4 : vector<16x2048xf32>
    %get3A_5 = arith.constant 0 : index
    %get3A_6 = arith.constant 0 : index
    %get3A_7 = vector.load %arg3[%get3A_5, %get3A_6] : memref<256x16xf32, #tpu.memory_space<vmem>>, vector<256x16xf32>
    %dot_general3A = arith.constant dense<0.000000e+00> : vector<2048x256xf32>
    %dot_general3A_8 = tpu.matmul %add3A, %get3A_7, %dot_general3A {dimension_numbers = #tpu.dot_dimension_numbers<[0], [1], [1], [0], [0, 1, 1, 0], [], []>, transpose_lhs_hint = false} : vector<16x2048xf32>, vector<256x16xf32>, vector<2048x256xf32> -> vector<2048x256xf32>
    %get3A_9 = arith.constant 0 : index
    %get3A_10 = vector.load %arg4[%get3A_9] : memref<256xf32, #tpu.memory_space<vmem>>, vector<256xf32>
    %broadcast_in_dim3A = vector.shape_cast %get3A_10 : vector<256xf32> to vector<1x256xf32>
    %add3A_11 = vector.broadcast %broadcast_in_dim3A : vector<1x256xf32> to vector<2048x256xf32>
    %add3A_12 = arith.addf %dot_general3A_8, %add3A_11 : vector<2048x256xf32>
    %swap3A = arith.constant 0 : index
    %swap3A_13 = arith.constant 0 : index
    %swap3A_14 = vector.load %arg5[%swap3A, %swap3A_13] : memref<2048x256xf32, #tpu.memory_space<vmem>>, vector<2048x256xf32>
    tpu.vector_store %arg5[%swap3A, %swap3A_13], %add3A_12 {strides = array<i32>} : memref<2048x256xf32, #tpu.memory_space<vmem>>, vector<2048x256xf32>,
    return
  }
  func.func @transform_1(%arg0: i32) -> (i32, i32) {
    %c0_i32 = arith.constant 0 : i32
    %c0_i32_0 = arith.constant 0 : i32
    %c0_i32_1 = arith.constant 0 : i32
    return %c0_i32, %c0_i32_0 : i32, i32
  }
  func.func @transform_2(%arg0: i32) -> (i32, i32) {
    %c0_i32 = arith.constant 0 : i32
    %c0_i32_0 = arith.constant 0 : i32
    %c0_i32_1 = arith.constant 0 : i32
    return %c0_i32, %c0_i32_0 : i32, i32
  }
  func.func @transform_3(%arg0: i32) -> i32 {
    %c0_i32 = arith.constant 0 : i32
    %c0_i32_0 = arith.constant 0 : i32
    return %c0_i32 : i32
  }
  func.func @transform_4(%arg0: i32) -> (i32, i32) {
    %c0_i32 = arith.constant 0 : i32
    %c2_i32 = arith.constant 2 : i32
    %c0_i32_0 = arith.constant 0 : i32
    return %c0_i32, %c2_i32 : i32, i32
  }
}

</mosaic_0001>

<sc_bundles>
// kernel: kernel.5.cloned.1.call-start
scs
__scs_entry_jumppad:
0x0: {  	(pc) =	sbr.rel $0x88, $3  }
0x1: {  	(tag) =	ssettag $0x0;
	lr =	simm.s32 $0x1  }
0x2: {  	[smem:$0x3F9A] =	sst lr;
	_ =	strace $0xD0000000  }
0x3: {  	_ = 	snop  }
0x4: {  	_ = 	snop  }
0x5: {  	_ = 	snop  }
0x6: {  	_ = 	snop  }
0x7: {  	_ = 	snop  }
__scs_overlays_trampoline_lowered:
0x8: {  	[smem:$0x3FA9] =	sst s0  }
0x9: {  	[smem:$0x3FAA] =	sst s1  }
0xa: {  	[smem:$0x3FAB] =	sst s2  }
0xb: {  	[smem:$0x3FAC] =	sst s3  }
0xc: {  	[smem:$0x3FAD] =	sst s4  }
0xd: {  	[smem:$0x3FAE] =	sst s5  }
0xe: {  	[smem:$0x3FAF] =	sst s6  }
0xf: {  	[smem:$0x3FB0] =	sst s7  }
0x10: {  	[smem:$0x3FB1] =	sst s8  }
0x11: {  	[smem:$0x3FB2] =	sst s9;
	s0 =	simm.s32 @!p0 $0x0  }
0x12: {  	s1 =	sld [smem:$0x3F98];
	s0 =	simm.s32 @p0 $0x1  }
0x13: {  	[smem:$0x3FB3] =	sst s0;
	s0 =	simm.s32 @!p1 $0x0  }
0x14: {  	s2 =	sld [smem:$0x3F97];
	s0 =	simm.s32 @p1 $0x1  }
0x15: {  	[smem:$0x3FB4] =	sst s0;
	s0 =	simm.s32 @!p2 $0x0  }
0x16: {  	s3 =	sld [smem:$0x3FDB];
	s0 =	simm.s32 @p2 $0x1  }
0x17: {  	s4 =	simm.s32 $0x1BF5;
	[smem:$0x3FB6] =	sst s0  }
0x18: {  	s0 =	sld [smem:$0x3F99];
	_ =	swait.ge [sflag:s4], $0x0  }
0x19: {  	s7 =	sld [smem:$0x3F9A]  }
0x1a: {  	s8 =	sadd.s32 $0xFFFFE003, lr  }
0x1b: {  	s9 =	sadd.s32 $0xFFFFFEF7, lr;
	s5 =	simm.s32 $0xFFFFFFFF;
	p2 =	slt.u32 s8, $0xFFFFF086  }
0x1c: {  	p1 =	slt.u32 s9, $0xF7A;
	s5 =	simm.s32 @!p2 $0x0  }
0x1d: {  	s5 =	simm.s32 @p1 $0x1;
	p0 =	seq.s32 s7, s2  }
0x1e: {  	s7 =	smul.u32 @!p0 $0xF7A, s2;
	p2 =	seq.s32 @!p0 s5, $0x0  }
0x1f: {  	s9 =	smul.u32 $0xF7A, s1;
	s8 =	simm.s32 @!p0 $0x1BF5;
	p2 =	por !p2, p0  }
0x20: {  	[sflag:s8] =	ssyncset.s32 @!p0 $0xFFFFF086;
	s6 =	sadd.s32 @!p0 s3, s7;
	s7 =	simm.s32 @!p0 $0x108  }
0x21: {  	s3 =	sadd.s32 s3, s9;
	s6 =	sadd.s32 @!p0 $0x88, s6;
	s7 =	simm.s32 @p2 $0x1082  }
0x22: {  	[simem:s7], [sflag:s8] =	dma.local @!p0 [hbm:s6], $0xF7A  }
0x23: {  	s9 =	sor.u32 $0xD0000000, s2;
	s6 =	simm.s32 $0x108;
	_ =	swait.ge @!p0 [sflag:s8], $0x0  }
0x24: {  	s3 =	sadd.s32 $0x88, s3;
	s6 =	simm.s32 @!p1 $0x1082;
	[sflag:s4] =	ssyncset.s32 $0xFFFFF086  }
0x25: {  	[simem:s6], [sflag:s4] =	dma.local [hbm:s3], $0xF7A  }
0x26: {  	[smem:$0x3F9A] =	sst s1;
	(tag) =	ssettag s2;
	_ =	strace s9  }
0x27: {  	s1 =	sld [smem:$0x3FAA]  }
0x28: {  	s2 =	sld [smem:$0x3FAB]  }
0x29: {  	s4 =	sld [smem:$0x3FAD]  }
0x2a: {  	p0 =	seq.s32 s5, $0x0;
	s5 =	sld [smem:$0x3FAE]  }
0x2b: {  	s6 =	sld [smem:$0x3FAF]  }
0x2c: {  	s7 =	sld [smem:$0x3FB0]  }
0x2d: {  	s3 =	simm.s32 $0x108;
	s8 =	sld [smem:$0x3FB1]  }
0x2e: {  	s3 =	simm.s32 @!p0 $0x1082;
	s9 =	sld [smem:$0x3FB2]  }
0x2f: {  	lr =	sadd.s32 s0, s3;
	s0 =	sld [smem:$0x3FA9]  }
0x30: {  	s3 =	sld [smem:$0x3FAC]  }
0x31: {  	[smem:$0x3FB5] =	sst s10  }
0x32: {  	s10 =	sld [smem:$0x3FB3];
	_ =	sdelay $0x3  }
0x33: {  	p0 =	seq.s32 s10, $0x1;
	s10 =	sld [smem:$0x3FB5];
	_ =	sdelay $0x3  }
0x34: {  	[smem:$0x3FB5] =	sst s10  }
0x35: {  	s10 =	sld [smem:$0x3FB4];
	_ =	sdelay $0x3  }
0x36: {  	p1 =	seq.s32 s10, $0x1;
	s10 =	sld [smem:$0x3FB5];
	_ =	sdelay $0x3  }
0x37: {  	[smem:$0x3FB5] =	sst s10  }
0x38: {  	s10 =	sld [smem:$0x3FB6]  }
0x39: {  	_ = 	snop;
	(pc) =	sbr.ind lr, $3  }
0x3a: {  	_ = 	snop  }
0x3b: {  	_ = 	snop  }
0x3c: {  	p2 =	seq.s32 s10, $0x1;
	s10 =	sld [smem:$0x3FB5]  }
0x3d: {  	_ =	shalt  }
0x3e: {  	_ =	shalt  }
0x3f: {  	_ =	shalt  }
0x40: {  	_ =	shalt  }
0x41: {  	_ =	shalt  }
0x42: {  	_ =	shalt  }
0x43: {  	_ =	shalt  }
0x44: {  	_ =	shalt  }
0x45: {  	_ =	shalt  }
0x46: {  	_ =	shalt  }
0x47: {  	_ =	shalt  }
0x48: {  	_ =	shalt  }
0x49: {  	_ =	shalt  }
0x4a: {  	_ =	shalt  }
0x4b: {  	_ =	shalt  }
0x4c: {  	_ =	shalt  }
0x4d: {  	_ =	shalt  }
0x4e: {  	_ =	shalt  }
0x4f: {  	_ =	shalt  }
0x50: {  	_ =	shalt  }
0x51: {  	_ =	shalt  }
0x52: {  	_ =	shalt  }
0x53: {  	_ =	shalt  }
0x54: {  	_ =	shalt  }
0x55: {  	_ =	shalt  }
0x56: {  	_ =	shalt  }
0x57: {  	_ =	shalt  }
0x58: {  	_ =	shalt  }
0x59: {  	_ =	shalt  }
0x5a: {  	_ =	shalt  }
0x5b: {  	_ =	shalt  }
0x5c: {  	_ =	shalt  }
0x5d: {  	_ =	shalt  }
0x5e: {  	_ =	shalt  }
0x5f: {  	_ =	shalt  }
0x60: {  	_ =	shalt  }
0x61: {  	_ =	shalt  }
0x62: {  	_ =	shalt  }
0x63: {  	_ =	shalt  }
0x64: {  	_ =	shalt  }
0x65: {  	_ =	shalt  }
0x66: {  	_ =	shalt  }
0x67: {  	_ =	shalt  }
0x68: {  	_ =	shalt  }
0x69: {  	_ =	shalt  }
0x6a: {  	_ =	shalt  }
0x6b: {  	_ =	shalt  }
0x6c: {  	_ =	shalt  }
0x6d: {  	_ =	shalt  }
0x6e: {  	_ =	shalt  }
0x6f: {  	_ =	shalt  }
0x70: {  	_ =	shalt  }
0x71: {  	_ =	shalt  }
0x72: {  	_ =	shalt  }
0x73: {  	_ =	shalt  }
0x74: {  	_ =	shalt  }
0x75: {  	_ =	shalt  }
0x76: {  	_ =	shalt  }
0x77: {  	_ =	shalt  }
0x78: {  	_ =	shalt  }
0x79: {  	_ =	shalt  }
0x7a: {  	_ =	shalt  }
0x7b: {  	_ =	shalt  }
0x7c: {  	_ =	shalt  }
0x7d: {  	_ =	shalt  }
0x7e: {  	_ =	shalt  }
0x7f: {  	_ =	shalt  }
0x80: {  	_ =	shalt  }
0x81: {  	_ =	shalt  }
0x82: {  	_ =	shalt  }
0x83: {  	_ =	shalt  }
0x84: {  	_ =	shalt  }
0x85: {  	_ =	shalt  }
0x86: {  	_ =	shalt  }
0x87: {  	_ =	shalt  }
.Lfunc_end0:
.L_simem_size_0:
called_computation_lowered:
.L_overlay_start_0:
0x88: {  	s2 =	sld [smem:$0x3FD9]  }
0x89: {  	s3 =	sld [smem:$0x3FFE];
	_ =	sdelay $0x1  }
0x8a: {  	s1 =	srdreg.scid  }
0x8b: {  	s0 =	sand.u32 $0x1, s1  }
0x8c: {  	s16 =	sshll.u32 s0, $0xA;
	s2 =	sadd.s32 s3, s2  }
0x8d: {  	s2 =	sadd.s32 s2, s16  }
0x8e: {  	[smem:$0x3FC1] =	sst s2  }
0x8f: {  	_ = 	snop  }
0x90: {  	(tm) =	ssettm $0x1  }
0x91: {  	s17 =	sld [smem:$0x3FFB];
	_ =	sdelay $0x3  }
0x92: {  	_ =	strace s17  }
0x93: {  	s2 =	sld [smem:$0x3FFC];
	_ =	sdelay $0x3  }
0x94: {  	_ =	strace s2  }
0x95: {  	s2 =	sld [smem:$0x3FFD];
	_ =	sdelay $0x3  }
0x96: {  	_ =	strace s2  }
0x97: {  	_ =	strace $0x8FFFFFFF  }
0x98: {  	s18 =	sld [smem:$0x3FDB];
	_ =	sdelay $0x1  }
0x99: {  	s19 =	simm.s32 $_scs_section_size  }
0x9a: {  	s4 =	simm.s32 $_size__tile_overlayer_lowered;
	s5 =	simm.s32 $_tile_overlayer_lowered  }
0x9b: {  	s22 =	simm.s32 $0x1BFF;
	s21 =	sshll.u32 s5, $0x1;
	s2 =	sadd.s32 s19, s18  }
0x9c: {  	s6 =	simm.s32 $0x0;
	s20 =	sshll.u32 s4, $0x1;
	s4 =	sadd.s32 s21, s2  }
0x9d: {  	[timem:s6], [sflag:s22] =	dma.local [hbm:s4], s20  }
0x9e: {  	_ =	swait.ge [sflag:s22], s20  }
0x9f: {  	s3 =	ssub.s32 $0x0, s20;
	[sflag:s22] =	ssyncset.done $0x0  }
0xa0: {  	[sflag:s22] =	ssyncadd.s32 s3;
	_ =	sdelay $0x1  }
0xa1: {  	s23 =	simm.s32 $0x1B8B  }
0xa2: {  	_ =	swait.ge [sflag:s23], $0x1  }
0xa3: {  	[sflag:s23] =	ssyncset.done $0x0  }
0xa4: {  	s25 =	simm.s32 $0x1B8E;
	s24 =	sld [smem:$0x3FFE];
	[sflag:s23] =	ssyncadd.s32 $0xFFFFFFFF  }
0xa5: {  	s26 =	simm.s32 $execute0_lowered;
	[smem:$0x3FD2] =	sst s25  }
0xa6: {  	s4 =	sshll.u32 s26, $0x1;
	_ =	strace $0x80000046;
	[dreg:$0x1] =	wrdreg $0xFFFFFFFF  }
0xa7: {  	s28 =	simm.s32 $_size_execute0_lowered;
	s2 =	sadd.s32 s2, s4;
	[dreg:$0x0] =	wrdreg $0x0  }
0xa8: {  	s4 =	sshll.u32 s28, $0x1;
	[dreg:$0x2] =	wrdreg s2  }
0xa9: {  	[dreg:$0x3] =	wrdreg s4  }
0xaa: {  	[dreg:$0x4] =	wrdreg $0xC0  }
0xab: {  	_ =	task [dreg:s6], $0x5FFFF  }
0xac: {  	[dreg:$0x1] =	wrdreg $0xFFFFFFFF  }
0xad: {  	[dreg:$0x0] =	wrdreg $0x60  }
0xae: {  	[dreg:$0x2] =	wrdreg s24  }
0xaf: {  	[dreg:$0x3] =	wrdreg $0x120000  }
0xb0: {  	[dreg:$0x4] =	wrdreg $0x9  }
0xb1: {  	_ =	task.clear_ibuf [dreg:s6], $0x5FFFF;
	_ =	strace $0x90000046  }
0xb2: {  	s29 =	simm.s32 $0x9;
	_ =	strace $0x8000004E  }
0xb3: {  	_ =	swait.ge [sflag:s29], $0x1  }
0xb4: {  	[sflag:s29] =	ssyncadd.s32 $0xFFFFFFFF  }
0xb5: {  	_ =	strace $0x9000004E  }
0xb6: {  	_ =	sfence  }
0xb7: {  	s30 =	sld [smem:$0x0];
	_ =	sdelay $0x2  }
0xb8: {  	s31 =	sshll.u32 s1, $0xD;
	s1 =	sshrl.u32 s1, $0x2  }
0xb9: {  	s3 =	sand.u32 $0x4000, s31;
	s1 =	sadd.s32 s1, s30  }
0xba: {  	s0 =	sor.u32 s3, s0;
	s1 =	sshll.u32 s1, $0x11  }
0xbb: {  	s0 =	sor.u32 s1, s0  }
0xbc: {  	s0 =	sadd.s32 $0x8F2B, s0  }
0xbd: {  	[sflag:s0] =	ssyncadd.remote.s32 $0x1  }
0xbe: {  	_ =	sfence.sel $0xFFFF  }
0xbf: {  	[dreg:$0x0] =	wrdreg $0xFFFFFFFF;
	(pc) =	sbr.abs _section_cstart, $3  }
0xc0: {  	[dreg:$0x1] =	wrdreg $0xFFFFFFFF  }
0xc1: {  	_ =	task.clear_ibuf [dreg:s6], $0x2FFFF;
	_ =	strace $0x9FFFFFFF  }
0xc2: {  	(tm) =	ssettm $0x7FFFFFFF  }
0xc3: {  	_ =	shalt  }
tec
execute0_lowered:
.L_overlay_start_1:
0x0: {  	(tag) =	ssettag $0x1  }
0x1: {  	s4 =	rddreg [dreg:$0x0]  }
0x2: {  	s1 =	rddreg [dreg:$0x1]  }
0x3: {  	s0 =	rddreg [dreg:$0x2];
	s3 =	simm.s32 $0x0;
	s5 =	srdreg.scid  }
0x4: {  	s2 =	stileid.u32;
	s10 =	simm.s32 $0x10000;
	s11 =	simm.s32 $0x1000  }
0x5: {  	s12 =	simm.s32 $0x11000;
	s13 =	simm.s32 $0x4;
	s14 =	simm.s32 $0x1  }
0x6: {  	s15 =	simm.s32 $0x2;
	s16 =	simm.s32 $0x9000;
	s17 =	simm.s32 $0x3  }
0x7: {  	s18 =	simm.s32 $0x80;
	s19 =	simm.s32 $0x11800;
	s20 =	simm.s32 $0x0  }
0x8: {  	[smem:$0x7FF] =	sst s3;
	s5 =	sand.u32 $0x1, s5;
	s6 =	sshll.u32 s2, $0x9  }
0x9: {  	s29 =	sshll.u32 s2, $0x4;
	s31 =	sshll.u32 s2, $0xB;
	_ =	strace $0x80000047  }
0xa: {  	s7 =	sshll.u32 s5, $0x8;
	s8 =	ssub.s32 $0x2, s5;
	s9 =	sshll.u32 s5, $0xC  }
0xb: {  	s6 =	sor.u32 s7, s6;
	s7 =	sadd.s32 s29, s4;
	s30 =	sshrl.u32 s8, $0x1  }
0xc: {  	s6 =	sadd.s32 s6, s4;
	s8 =	ssub.s32 s8, s30;
	s7 =	sadd.s32 s9, s7  }
0xd: {  	v1 =	vlaneseq.u32;
	s9 =	simm.s32 $0x800;
	s4 =	sadd.s32 $0xE00, s6;
	s5 =	sadd.s32 $0x4E00, s6  }
0xe: {  	v0 =	vimm.f32 $0.0e+00;
	v1 =	vmul.u32 $0x10, v1;
	s6 =	sadd.s32 s31, s1;
	s7 =	sadd.s32 $0x24E00, s7;
	s8 =	smax.u32 s8, $0x1  }
.LBB2_1:
0xf: {  	_ =	strace $0x80000048  }
0x10: {  	[tilespmem:s3], [sflag:$0x1] =	stream.linear.gather [hbm4b:s4+s3], $0x800, $0x200038;
	[tilespmem:$0x12800] =	vst v63  }
0x11: {  	_ = 	snop  }
0x12: {  	[tilespmem:s11], [sflag:$0x2] =	stream.strided.gather [hbm4b:s5+s9], $0x8000, s10, s9, $0x200038;
	[tilespmem:$0x12800] =	vst v63  }
0x13: {  	_ =	strace $0x90000048  }
0x14: {  	s21 =	simm.s32 $0x40;
	s22 =	simm.s32 $0x0;
	_ =	strace $0x80000049  }
.LBB2_2:
0x15: {  	p0 =	sne.s32 s21, $0x1FC0;
	[tilespmem:s22+$0x11000] =	vst v0;
	s22 =	smov.u32 s21;
	s21 =	sadd.s32 $0x40, s21  }
.Ltmp0:
0x16: {  	(pc) =	sbr.rel @p0 .LBB2_2-.Ltmp0, $2  }
0x17: {  	_ =	sdelay $0x2  }
0x18: {  	s22 =	sshra.s32 s22, $0x2  }
0x19: {  	[tilespmem:s22+$0x11000] =	vst v0  }
0x1a: {  	[spmem:s6] =	stream.linear.scatter [tilespmem:s12], [sflag:$0x4], $0x800, $0x200038;
	[tilespmem:$0x12800] =	vst v63  }
0x1b: {  	_ =	swait.ge [sflag:s13], $0x800  }
0x1c: {  	[sflag:s13] =	ssyncset.done $0x0  }
0x1d: {  	[sflag:s13] =	ssyncadd.s32 $0xFFFFF800  }
0x1e: {  	_ =	strace $0x90000049  }
0x1f: {  	_ =	strace $0x8000004A  }
0x20: {  	_ =	swait.ge [sflag:s14], $0x800  }
0x21: {  	[sflag:s14] =	ssyncset.done $0x0  }
0x22: {  	s23 =	simm.s32 $0x0;
	[sflag:s14] =	ssyncadd.s32 $0xFFFFF800  }
0x23: {  	s21 =	simm.s32 $0x0;
	v2 =	vld [tilespmem:s23+$0x0]  }
0x24: {  	s21 =	sand.u32 $0x1E00, s21  }
0x25: {  	s31 =	simm.s32 $0x0;
	s21 =	sshrl.u32 s21, $0x2  }
0x26: {  	s22 =	sand.u32 $0x60, s31;
	s24 =	sor.u32 $0x800, s21  }
0x27: {  	s22 =	sor.u32 s22, s24  }
0x28: {  	[tilespmem:s22+$0x0] =	vst v2  }
0x29: {  	v2 =	vld [tilespmem:s23+$0x10];
	_ =	sdelay $0x1  }
0x2a: {  	s21 =	simm.s32 $0x10  }
0x2b: {  	s25 =	sand.u32 $0x70, s21  }
0x2c: {  	s24 =	sor.u32 s25, s24;
	s22 =	simm.s32 $0x0;
	s23 =	simm.s32 $0x80  }
.LBB2_4:
0x2d: {  	s25 =	sshra.s32 s23, $0x2;
	s22 =	sadd.s32 $0x2, s22;
	[tilespmem:s24+$0x0] =	vst v2  }
0x2e: {  	v2 =	vld [tilespmem:s25+$0x0];
	p0 =	slt.u32 s22, $0x7E  }
0x2f: {  	s24 =	sand.u32 $0x1E00, s23;
	s21 =	sadd.s32 $0x20, s21  }
0x30: {  	s26 =	sadd.s32 $0xFFFFFFF0, s21;
	s24 =	sshrl.u32 s24, $0x2  }
0x31: {  	s26 =	sand.u32 $0x60, s26;
	s24 =	sor.u32 $0x800, s24  }
0x32: {  	s26 =	sor.u32 s26, s24  }
0x33: {  	[tilespmem:s26+$0x0] =	vst v2  }
.Ltmp1:
0x34: {  	v2 =	vld [tilespmem:s25+$0x10];
	(pc) =	sbr.rel @p0 .LBB2_4-.Ltmp1, $3  }
0x35: {  	_ =	sdelay $0x1  }
0x36: {  	s25 =	sand.u32 $0x70, s21  }
0x37: {  	s23 =	sadd.s32 $0x80, s23;
	s24 =	sor.u32 s25, s24  }
0x38: {  	[tilespmem:s24+$0x0] =	vst v2  }
0x39: {  	_ =	strace $0x9000004A  }
0x3a: {  	[bflag:$0x0] =	sbarrier.arrive $0xFFFF  }
0x3b: {  	_ =	strace $0x8000004B  }
0x3c: {  	s21 =	simm.s32 $0x0;
	_ =	swait.ge [sflag:s15], $0x8000  }
0x3d: {  	v2 =	vmov s21;
	[sflag:s15] =	ssyncset.done $0x0  }
0x3e: {  	s23 =	simm.s32 $0x0;
	v2 =	vshll.u32 v2, $0x4;
	[sflag:s15] =	ssyncadd.s32 $0xFFFF8000  }
0x3f: {  	v2 =	vor.u32 v1, v2;
	v3 =	vld [tilespmem:s23+$0x1000];
	_ =	sdelay $0x4  }
0x40: {  	[tilespmem:v2+s16+$0x0] =	vst.idx.msk $0xffff, v3  }
0x41: {  	v4 =	vor.u32 $0x1, v2;
	v3 =	vld [tilespmem:s23+$0x1800];
	_ =	sdelay $0x4  }
0x42: {  	[tilespmem:v4+s16+$0x0] =	vst.idx.msk $0xffff, v3  }
0x43: {  	v4 =	vor.u32 $0x2, v2;
	v3 =	vld [tilespmem:s23+$0x2000];
	_ =	sdelay $0x4  }
0x44: {  	[tilespmem:v4+s16+$0x0] =	vst.idx.msk $0xffff, v3  }
0x45: {  	v4 =	vor.u32 $0x3, v2;
	v3 =	vld [tilespmem:s23+$0x2800];
	_ =	sdelay $0x4  }
0x46: {  	[tilespmem:v4+s16+$0x0] =	vst.idx.msk $0xffff, v3  }
0x47: {  	v4 =	vor.u32 $0x4, v2;
	v3 =	vld [tilespmem:s23+$0x3000];
	_ =	sdelay $0x4  }
0x48: {  	[tilespmem:v4+s16+$0x0] =	vst.idx.msk $0xffff, v3  }
0x49: {  	v4 =	vor.u32 $0x5, v2;
	v3 =	vld [tilespmem:s23+$0x3800];
	_ =	sdelay $0x4  }
0x4a: {  	[tilespmem:v4+s16+$0x0] =	vst.idx.msk $0xffff, v3  }
0x4b: {  	v4 =	vor.u32 $0x6, v2;
	v3 =	vld [tilespmem:s23+$0x4000];
	_ =	sdelay $0x4  }
0x4c: {  	[tilespmem:v4+s16+$0x0] =	vst.idx.msk $0xffff, v3  }
0x4d: {  	v4 =	vor.u32 $0x7, v2;
	v3 =	vld [tilespmem:s23+$0x4800];
	_ =	sdelay $0x4  }
0x4e: {  	[tilespmem:v4+s16+$0x0] =	vst.idx.msk $0xffff, v3  }
0x4f: {  	v4 =	vor.u32 $0x8, v2;
	v3 =	vld [tilespmem:s23+$0x5000];
	_ =	sdelay $0x4  }
0x50: {  	[tilespmem:v4+s16+$0x0] =	vst.idx.msk $0xffff, v3  }
0x51: {  	v4 =	vor.u32 $0x9, v2;
	v3 =	vld [tilespmem:s23+$0x5800];
	_ =	sdelay $0x4  }
0x52: {  	[tilespmem:v4+s16+$0x0] =	vst.idx.msk $0xffff, v3  }
0x53: {  	v4 =	vor.u32 $0xA, v2;
	v3 =	vld [tilespmem:s23+$0x6000];
	_ =	sdelay $0x4  }
0x54: {  	[tilespmem:v4+s16+$0x0] =	vst.idx.msk $0xffff, v3  }
0x55: {  	v4 =	vor.u32 $0xB, v2;
	v3 =	vld [tilespmem:s23+$0x6800];
	_ =	sdelay $0x4  }
0x56: {  	[tilespmem:v4+s16+$0x0] =	vst.idx.msk $0xffff, v3  }
0x57: {  	v4 =	vor.u32 $0xC, v2;
	v3 =	vld [tilespmem:s23+$0x7000];
	_ =	sdelay $0x4  }
0x58: {  	[tilespmem:v4+s16+$0x0] =	vst.idx.msk $0xffff, v3  }
0x59: {  	v4 =	vor.u32 $0xD, v2;
	v3 =	vld [tilespmem:s23+$0x7800];
	_ =	sdelay $0x4  }
0x5a: {  	[tilespmem:v4+s16+$0x0] =	vst.idx.msk $0xffff, v3  }
0x5b: {  	v4 =	vor.u32 $0xE, v2;
	v3 =	vld [tilespmem:s23+$0x8000];
	_ =	sdelay $0x4  }
0x5c: {  	[tilespmem:v4+s16+$0x0] =	vst.idx.msk $0xffff, v3  }
0x5d: {  	s31 =	sand.u32 $0x7, s21;
	v2 =	vor.u32 $0xF, v2;
	v3 =	vld [tilespmem:s23+$0x8800]  }
0x5e: {  	s22 =	simm.s32 $0x40;
	p1 =	sne.s32 s31, $0x7  }
0x5f: {  	s25 =	simm.s32 @!p1 $0x0;
	s26 =	simm.s32 @!p1 $0x0;
	s23 =	simm.s32 $0x10  }
.LBB2_6:
0x60: {  	s24 =	sshra.s32 s22, $0x2;
	s25 =	sand.u32 @!p1 $0x3FFFF800, s25;
	s26 =	sand.u32 @!p1 $0x3FFFFF80, s26  }
0x61: {  	v4 =	vmov s23;
	s28 =	simm.s32 @!p1 $0x80;
	s25 =	sadd.s32 @!p1 $0x9000, s25;
	s26 =	sadd.s32 @!p1 $0x800, s26  }
0x62: {  	v4 =	vshll.u32 v4, $0x4;
	[tilespmem:v2+s16+$0x0] =	vst.idx.msk $0xffff, v3;
	[spmem:s1] =	stream.indirect.scatter.add.f32 @!p1 [tilespmem:s25], [sflag:$0x3], $0x10, s26, s28, $0x2000b8  }
0x63: {  	s22 =	sadd.s32 $0x40, s22;
	v2 =	vor.u32 v1, v4;
	v3 =	vld [tilespmem:s24+$0x1000]  }
0x64: {  	p0 =	sne.s32 s22, $0x2000;
	_ =	sdelay $0x3  }
0x65: {  	[tilespmem:v2+s16+$0x0] =	vst.idx.msk $0xffff, v3  }
0x66: {  	v4 =	vor.u32 $0x1, v2;
	v3 =	vld [tilespmem:s24+$0x1800];
	_ =	sdelay $0x4  }
0x67: {  	[tilespmem:v4+s16+$0x0] =	vst.idx.msk $0xffff, v3  }
0x68: {  	v4 =	vor.u32 $0x2, v2;
	v3 =	vld [tilespmem:s24+$0x2000];
	_ =	sdelay $0x4  }
0x69: {  	[tilespmem:v4+s16+$0x0] =	vst.idx.msk $0xffff, v3  }
0x6a: {  	v4 =	vor.u32 $0x3, v2;
	v3 =	vld [tilespmem:s24+$0x2800];
	_ =	sdelay $0x4  }
0x6b: {  	[tilespmem:v4+s16+$0x0] =	vst.idx.msk $0xffff, v3  }
0x6c: {  	v4 =	vor.u32 $0x4, v2;
	v3 =	vld [tilespmem:s24+$0x3000];
	_ =	sdelay $0x4  }
0x6d: {  	[tilespmem:v4+s16+$0x0] =	vst.idx.msk $0xffff, v3  }
0x6e: {  	v4 =	vor.u32 $0x5, v2;
	v3 =	vld [tilespmem:s24+$0x3800];
	_ =	sdelay $0x4  }
0x6f: {  	[tilespmem:v4+s16+$0x0] =	vst.idx.msk $0xffff, v3  }
0x70: {  	v4 =	vor.u32 $0x6, v2;
	v3 =	vld [tilespmem:s24+$0x4000];
	_ =	sdelay $0x4  }
0x71: {  	[tilespmem:v4+s16+$0x0] =	vst.idx.msk $0xffff, v3  }
0x72: {  	v4 =	vor.u32 $0x7, v2;
	v3 =	vld [tilespmem:s24+$0x4800];
	_ =	sdelay $0x4  }
0x73: {  	[tilespmem:v4+s16+$0x0] =	vst.idx.msk $0xffff, v3  }
0x74: {  	v4 =	vor.u32 $0x8, v2;
	v3 =	vld [tilespmem:s24+$0x5000];
	_ =	sdelay $0x4  }
0x75: {  	[tilespmem:v4+s16+$0x0] =	vst.idx.msk $0xffff, v3  }
0x76: {  	v4 =	vor.u32 $0x9, v2;
	v3 =	vld [tilespmem:s24+$0x5800];
	_ =	sdelay $0x4  }
0x77: {  	[tilespmem:v4+s16+$0x0] =	vst.idx.msk $0xffff, v3  }
0x78: {  	v4 =	vor.u32 $0xA, v2;
	v3 =	vld [tilespmem:s24+$0x6000];
	_ =	sdelay $0x4  }
0x79: {  	[tilespmem:v4+s16+$0x0] =	vst.idx.msk $0xffff, v3  }
0x7a: {  	v4 =	vor.u32 $0xB, v2;
	v3 =	vld [tilespmem:s24+$0x6800];
	_ =	sdelay $0x4  }
0x7b: {  	[tilespmem:v4+s16+$0x0] =	vst.idx.msk $0xffff, v3  }
0x7c: {  	v4 =	vor.u32 $0xC, v2;
	v3 =	vld [tilespmem:s24+$0x7000];
	_ =	sdelay $0x4  }
0x7d: {  	[tilespmem:v4+s16+$0x0] =	vst.idx.msk $0xffff, v3  }
0x7e: {  	v4 =	vor.u32 $0xD, v2;
	v3 =	vld [tilespmem:s24+$0x7800];
	_ =	sdelay $0x4  }
0x7f: {  	[tilespmem:v4+s16+$0x0] =	vst.idx.msk $0xffff, v3  }
0x80: {  	v4 =	vor.u32 $0xE, v2;
	v3 =	vld [tilespmem:s24+$0x8000];
	_ =	sdelay $0x3  }
.Ltmp2:
0x81: {  	(pc) =	sbr.rel @p0 .LBB2_6-.Ltmp2, $4  }
0x82: {  	s21 =	sadd.s32 $0x1, s21;
	[tilespmem:v4+s16+$0x0] =	vst.idx.msk $0xffff, v3  }
0x83: {  	v2 =	vor.u32 $0xF, v2;
	v3 =	vld [tilespmem:s24+$0x8800];
	s24 =	sand.u32 $0x7, s21  }
0x84: {  	p1 =	sne.s32 s24, $0x7  }
0x85: {  	s23 =	sadd.s32 $0x10, s23;
	s25 =	sshll.u32 @!p1 s21, $0x8;
	s26 =	sshll.u32 @!p1 s21, $0x4  }
0x86: {  	_ =	sdelay $0x2  }
0x87: {  	s21 =	sand.u32 @!p1 $0x3FFFF800, s25;
	s22 =	sand.u32 @!p1 $0x3FFFFF80, s26  }
0x88: {  	s23 =	simm.s32 @!p1 $0x80;
	s21 =	sadd.s32 @!p1 $0x9000, s21;
	s22 =	sadd.s32 @!p1 $0x800, s22;
	[tilespmem:v2+s16+$0x0] =	vst.idx.msk $0xffff, v3  }
0x89: {  	[spmem:s1] =	stream.indirect.scatter.add.f32 @!p1 [tilespmem:s21], [sflag:$0x3], $0x10, s22, s23, $0x2000b8;
	[tilespmem:$0x12800] =	vst v63  }
0x8a: {  	_ =	strace $0x9000004B  }
0x8b: {  	_ =	strace $0x8000004C  }
0x8c: {  	_ =	swait.ge [sflag:s17], $0x800  }
0x8d: {  	[sflag:s17] =	ssyncset.done $0x0  }
0x8e: {  	[sflag:s17] =	ssyncadd.s32 $0xFFFFF800  }
0x8f: {  	_ =	swait.ge [sflag:s17], $0x800  }
0x90: {  	[sflag:s17] =	ssyncset.done $0x0  }
0x91: {  	[sflag:s17] =	ssyncadd.s32 $0xFFFFF800  }
0x92: {  	_ =	swait.ge [sflag:s17], $0x800  }
0x93: {  	[sflag:s17] =	ssyncset.done $0x0  }
0x94: {  	[sflag:s17] =	ssyncadd.s32 $0xFFFFF800  }
0x95: {  	_ =	swait.ge [sflag:s17], $0x800  }
0x96: {  	[sflag:s17] =	ssyncset.done $0x0  }
0x97: {  	[sflag:s17] =	ssyncadd.s32 $0xFFFFF800  }
0x98: {  	_ =	swait.ge [sflag:s17], $0x800  }
0x99: {  	[sflag:s17] =	ssyncset.done $0x0  }
0x9a: {  	[sflag:s17] =	ssyncadd.s32 $0xFFFFF800  }
0x9b: {  	_ =	swait.ge [sflag:s17], $0x800  }
0x9c: {  	[sflag:s17] =	ssyncset.done $0x0  }
0x9d: {  	[sflag:s17] =	ssyncadd.s32 $0xFFFFF800  }
0x9e: {  	_ =	swait.ge [sflag:s17], $0x800  }
0x9f: {  	[sflag:s17] =	ssyncset.done $0x0  }
0xa0: {  	[sflag:s17] =	ssyncadd.s32 $0xFFFFF800  }
0xa1: {  	_ =	swait.ge [sflag:s17], $0x800  }
0xa2: {  	[sflag:s17] =	ssyncset.done $0x0  }
0xa3: {  	[sflag:s17] =	ssyncadd.s32 $0xFFFFF800  }
0xa4: {  	_ =	swait.ge [sflag:s17], $0x800  }
0xa5: {  	[sflag:s17] =	ssyncset.done $0x0  }
0xa6: {  	[sflag:s17] =	ssyncadd.s32 $0xFFFFF800  }
0xa7: {  	_ =	swait.ge [sflag:s17], $0x800  }
0xa8: {  	[sflag:s17] =	ssyncset.done $0x0  }
0xa9: {  	[sflag:s17] =	ssyncadd.s32 $0xFFFFF800  }
0xaa: {  	_ =	swait.ge [sflag:s17], $0x800  }
0xab: {  	[sflag:s17] =	ssyncset.done $0x0  }
0xac: {  	[sflag:s17] =	ssyncadd.s32 $0xFFFFF800  }
0xad: {  	_ =	swait.ge [sflag:s17], $0x800  }
0xae: {  	[sflag:s17] =	ssyncset.done $0x0  }
0xaf: {  	[sflag:s17] =	ssyncadd.s32 $0xFFFFF800  }
0xb0: {  	_ =	swait.ge [sflag:s17], $0x800  }
0xb1: {  	[sflag:s17] =	ssyncset.done $0x0  }
0xb2: {  	[sflag:s17] =	ssyncadd.s32 $0xFFFFF800  }
0xb3: {  	_ =	swait.ge [sflag:s17], $0x800  }
0xb4: {  	[sflag:s17] =	ssyncset.done $0x0  }
0xb5: {  	[sflag:s17] =	ssyncadd.s32 $0xFFFFF800  }
0xb6: {  	_ =	swait.ge [sflag:s17], $0x800  }
0xb7: {  	[sflag:s17] =	ssyncset.done $0x0  }
0xb8: {  	[sflag:s17] =	ssyncadd.s32 $0xFFFFF800  }
0xb9: {  	_ =	swait.ge [sflag:s17], $0x800  }
0xba: {  	[sflag:s17] =	ssyncset.done $0x0  }
0xbb: {  	s30 =	simm.s32 $0x0;
	[sflag:s17] =	ssyncadd.s32 $0xFFFFF800  }
0xbc: {  	v2 =	vmov s30;
	_ =	strace $0x9000004C  }
0xbd: {  	v2 =	vshll.u32 v2, $0x4;
	[bflag:$0x0] =	sbarrier.arrive $0xFFFF  }
0xbe: {  	v2 =	vor.u32 v1, v2;
	_ =	strace $0x8000004D  }
0xbf: {  	[tilespmem:s12], [sflag:$0x4] =	stream.linear.gather [spmem:s6], $0x800, $0x200038;
	[tilespmem:$0x12800] =	vst v63  }
0xc0: {  	_ =	swait.ge [sflag:s13], $0x800  }
0xc1: {  	[sflag:s13] =	ssyncset.done $0x0  }
0xc2: {  	[sflag:s13] =	ssyncadd.s32 $0xFFFFF800  }
0xc3: {  	v3 =	vld.idx.msk [tilespmem:v2+s12+$0x0], $0xffff  }
0xc4: {  	v4 =	vor.u32 $0x1, v2;
	_ =	sdelay $0x2  }
0xc5: {  	s21 =	simm.s32 $0x11C00  }
0xc6: {  	[tilespmem:s21+$0xFFFFFC00] =	vst v3  }
0xc7: {  	v3 =	vld.idx.msk [tilespmem:v4+s12+$0x0], $0xffff  }
0xc8: {  	v4 =	vor.u32 $0x2, v2;
	_ =	sdelay $0x3  }
0xc9: {  	[tilespmem:s21+$0xFFFFFC80] =	vst v3  }
0xca: {  	v3 =	vld.idx.msk [tilespmem:v4+s12+$0x0], $0xffff  }
0xcb: {  	v4 =	vor.u32 $0x3, v2;
	_ =	sdelay $0x3  }
0xcc: {  	[tilespmem:s21+$0xFFFFFD00] =	vst v3  }
0xcd: {  	v3 =	vld.idx.msk [tilespmem:v4+s12+$0x0], $0xffff  }
0xce: {  	v4 =	vor.u32 $0x4, v2;
	_ =	sdelay $0x3  }
0xcf: {  	[tilespmem:s21+$0xFFFFFD80] =	vst v3  }
0xd0: {  	v3 =	vld.idx.msk [tilespmem:v4+s12+$0x0], $0xffff  }
0xd1: {  	v4 =	vor.u32 $0x5, v2;
	_ =	sdelay $0x3  }
0xd2: {  	[tilespmem:s21+$0xFFFFFE00] =	vst v3  }
0xd3: {  	v3 =	vld.idx.msk [tilespmem:v4+s12+$0x0], $0xffff  }
0xd4: {  	v4 =	vor.u32 $0x6, v2;
	_ =	sdelay $0x3  }
0xd5: {  	[tilespmem:s21+$0xFFFFFE80] =	vst v3  }
0xd6: {  	v3 =	vld.idx.msk [tilespmem:v4+s12+$0x0], $0xffff  }
0xd7: {  	v4 =	vor.u32 $0x7, v2;
	_ =	sdelay $0x3  }
0xd8: {  	[tilespmem:s21+$0xFFFFFF00] =	vst v3  }
0xd9: {  	v3 =	vld.idx.msk [tilespmem:v4+s12+$0x0], $0xffff  }
0xda: {  	v4 =	vor.u32 $0x8, v2;
	_ =	sdelay $0x3  }
0xdb: {  	[tilespmem:s21+$0xFFFFFF80] =	vst v3  }
0xdc: {  	v3 =	vld.idx.msk [tilespmem:v4+s12+$0x0], $0xffff  }
0xdd: {  	v4 =	vor.u32 $0x9, v2;
	_ =	sdelay $0x3  }
0xde: {  	[tilespmem:s21+$0x0] =	vst v3  }
0xdf: {  	v3 =	vld.idx.msk [tilespmem:v4+s12+$0x0], $0xffff  }
0xe0: {  	v4 =	vor.u32 $0xA, v2;
	_ =	sdelay $0x3  }
0xe1: {  	[tilespmem:s21+$0x80] =	vst v3  }
0xe2: {  	v3 =	vld.idx.msk [tilespmem:v4+s12+$0x0], $0xffff  }
0xe3: {  	v4 =	vor.u32 $0xB, v2;
	_ =	sdelay $0x3  }
0xe4: {  	[tilespmem:s21+$0x100] =	vst v3  }
0xe5: {  	v3 =	vld.idx.msk [tilespmem:v4+s12+$0x0], $0xffff  }
0xe6: {  	v4 =	vor.u32 $0xC, v2;
	_ =	sdelay $0x3  }
0xe7: {  	[tilespmem:s21+$0x180] =	vst v3  }
0xe8: {  	v3 =	vld.idx.msk [tilespmem:v4+s12+$0x0], $0xffff  }
0xe9: {  	v4 =	vor.u32 $0xD, v2;
	_ =	sdelay $0x3  }
0xea: {  	[tilespmem:s21+$0x200] =	vst v3  }
0xeb: {  	v3 =	vld.idx.msk [tilespmem:v4+s12+$0x0], $0xffff  }
0xec: {  	v4 =	vor.u32 $0xE, v2;
	_ =	sdelay $0x3  }
0xed: {  	[tilespmem:s21+$0x280] =	vst v3  }
0xee: {  	v3 =	vld.idx.msk [tilespmem:v4+s12+$0x0], $0xffff  }
0xef: {  	v4 =	vor.u32 $0xF, v2;
	_ =	sdelay $0x3  }
0xf0: {  	s31 =	simm.s32 $0x10;
	[tilespmem:s21+$0x300] =	vst v3  }
0xf1: {  	s22 =	simm.s32 $0x20;
	v2 =	vmov s31;
	v3 =	vld.idx.msk [tilespmem:v4+s12+$0x0], $0xffff  }
.LBB2_8:
0xf2: {  	p0 =	sne.s32 s22, $0x70;
	v2 =	vshll.u32 v2, $0x4  }
0xf3: {  	v2 =	vor.u32 v1, v2;
	_ =	sdelay $0x3  }
0xf4: {  	[tilespmem:s21+$0x380] =	vst v3  }
0xf5: {  	v3 =	vld.idx.msk [tilespmem:v2+s12+$0x0], $0xffff;
	_ =	sdelay $0x1  }
0xf6: {  	v4 =	vor.u32 $0x1, v2;
	_ =	sdelay $0x2  }
0xf7: {  	s21 =	sadd.s32 $0x10, s21  }
0xf8: {  	[tilespmem:s21+$0xFFFFFC00] =	vst v3  }
0xf9: {  	v3 =	vld.idx.msk [tilespmem:v4+s12+$0x0], $0xffff;
	_ =	sdelay $0x1  }
0xfa: {  	v4 =	vor.u32 $0x2, v2;
	_ =	sdelay $0x3  }
0xfb: {  	[tilespmem:s21+$0xFFFFFC80] =	vst v3  }
0xfc: {  	v3 =	vld.idx.msk [tilespmem:v4+s12+$0x0], $0xffff;
	_ =	sdelay $0x1  }
0xfd: {  	v4 =	vor.u32 $0x3, v2;
	_ =	sdelay $0x3  }
0xfe: {  	[tilespmem:s21+$0xFFFFFD00] =	vst v3  }
0xff: {  	v3 =	vld.idx.msk [tilespmem:v4+s12+$0x0], $0xffff;
	_ =	sdelay $0x1  }
0x100: {  	v4 =	vor.u32 $0x4, v2;
	_ =	sdelay $0x3  }
0x101: {  	[tilespmem:s21+$0xFFFFFD80] =	vst v3  }
0x102: {  	v3 =	vld.idx.msk [tilespmem:v4+s12+$0x0], $0xffff;
	_ =	sdelay $0x1  }
0x103: {  	v4 =	vor.u32 $0x5, v2;
	_ =	sdelay $0x3  }
0x104: {  	[tilespmem:s21+$0xFFFFFE00] =	vst v3  }
0x105: {  	v3 =	vld.idx.msk [tilespmem:v4+s12+$0x0], $0xffff;
	_ =	sdelay $0x1  }
0x106: {  	v4 =	vor.u32 $0x6, v2;
	_ =	sdelay $0x3  }
0x107: {  	[tilespmem:s21+$0xFFFFFE80] =	vst v3  }
0x108: {  	v3 =	vld.idx.msk [tilespmem:v4+s12+$0x0], $0xffff;
	_ =	sdelay $0x1  }
0x109: {  	v4 =	vor.u32 $0x7, v2;
	_ =	sdelay $0x3  }
0x10a: {  	[tilespmem:s21+$0xFFFFFF00] =	vst v3  }
0x10b: {  	v3 =	vld.idx.msk [tilespmem:v4+s12+$0x0], $0xffff;
	_ =	sdelay $0x1  }
0x10c: {  	v4 =	vor.u32 $0x8, v2;
	_ =	sdelay $0x3  }
0x10d: {  	[tilespmem:s21+$0xFFFFFF80] =	vst v3  }
0x10e: {  	v3 =	vld.idx.msk [tilespmem:v4+s12+$0x0], $0xffff;
	_ =	sdelay $0x1  }
0x10f: {  	v4 =	vor.u32 $0x9, v2;
	_ =	sdelay $0x3  }
0x110: {  	[tilespmem:s21+$0x0] =	vst v3  }
0x111: {  	v3 =	vld.idx.msk [tilespmem:v4+s12+$0x0], $0xffff;
	_ =	sdelay $0x1  }
0x112: {  	v4 =	vor.u32 $0xA, v2;
	_ =	sdelay $0x3  }
0x113: {  	[tilespmem:s21+$0x80] =	vst v3  }
0x114: {  	v3 =	vld.idx.msk [tilespmem:v4+s12+$0x0], $0xffff;
	_ =	sdelay $0x1  }
0x115: {  	v4 =	vor.u32 $0xB, v2;
	_ =	sdelay $0x3  }
0x116: {  	[tilespmem:s21+$0x100] =	vst v3  }
0x117: {  	v3 =	vld.idx.msk [tilespmem:v4+s12+$0x0], $0xffff;
	_ =	sdelay $0x1  }
0x118: {  	v4 =	vor.u32 $0xC, v2;
	_ =	sdelay $0x3  }
0x119: {  	[tilespmem:s21+$0x180] =	vst v3  }
0x11a: {  	v3 =	vld.idx.msk [tilespmem:v4+s12+$0x0], $0xffff;
	_ =	sdelay $0x1  }
0x11b: {  	v4 =	vor.u32 $0xD, v2;
	_ =	sdelay $0x3  }
0x11c: {  	[tilespmem:s21+$0x200] =	vst v3  }
0x11d: {  	v3 =	vld.idx.msk [tilespmem:v4+s12+$0x0], $0xffff;
	_ =	sdelay $0x1  }
0x11e: {  	v4 =	vor.u32 $0xE, v2;
	_ =	sdelay $0x3  }
0x11f: {  	[tilespmem:s21+$0x280] =	vst v3  }
0x120: {  	v3 =	vld.idx.msk [tilespmem:v4+s12+$0x0], $0xffff;
	_ =	sdelay $0x1  }
0x121: {  	v4 =	vor.u32 $0xF, v2  }
.Ltmp3:
0x122: {  	(pc) =	sbr.rel @p0 .LBB2_8-.Ltmp3, $3  }
0x123: {  	_ =	sdelay $0x1  }
0x124: {  	[tilespmem:s21+$0x300] =	vst v3  }
0x125: {  	v2 =	vmov s22;
	s22 =	sadd.s32 $0x10, s22;
	v3 =	vld.idx.msk [tilespmem:v4+s12+$0x0], $0xffff  }
0x126: {  	v2 =	vshll.u32 v2, $0x4  }
0x127: {  	v2 =	vor.u32 v1, v2;
	_ =	sdelay $0x3  }
0x128: {  	[tilespmem:s21+$0x380] =	vst v3  }
0x129: {  	v3 =	vld.idx.msk [tilespmem:v2+s12+$0x0], $0xffff  }
0x12a: {  	v4 =	vor.u32 $0x1, v2;
	_ =	sdelay $0x2  }
0x12b: {  	s31 =	sadd.s32 $0x10, s21  }
0x12c: {  	[tilespmem:s31+$0xFFFFFC00] =	vst v3  }
0x12d: {  	v3 =	vld.idx.msk [tilespmem:v4+s12+$0x0], $0xffff  }
0x12e: {  	v51 =	vor.u32 $0x2, v2;
	_ =	sdelay $0x3  }
0x12f: {  	[tilespmem:s31+$0xFFFFFC80] =	vst v3  }
0x130: {  	v3 =	vld.idx.msk [tilespmem:v51+s12+$0x0], $0xffff  }
0x131: {  	v52 =	vor.u32 $0x3, v2;
	_ =	sdelay $0x3  }
0x132: {  	[tilespmem:s31+$0xFFFFFD00] =	vst v3  }
0x133: {  	v3 =	vld.idx.msk [tilespmem:v52+s12+$0x0], $0xffff  }
0x134: {  	v53 =	vor.u32 $0x4, v2;
	_ =	sdelay $0x3  }
0x135: {  	[tilespmem:s31+$0xFFFFFD80] =	vst v3  }
0x136: {  	v3 =	vld.idx.msk [tilespmem:v53+s12+$0x0], $0xffff  }
0x137: {  	v54 =	vor.u32 $0x5, v2;
	_ =	sdelay $0x3  }
0x138: {  	[tilespmem:s31+$0xFFFFFE00] =	vst v3  }
0x139: {  	v3 =	vld.idx.msk [tilespmem:v54+s12+$0x0], $0xffff  }
0x13a: {  	v55 =	vor.u32 $0x6, v2;
	_ =	sdelay $0x3  }
0x13b: {  	[tilespmem:s31+$0xFFFFFE80] =	vst v3  }
0x13c: {  	v3 =	vld.idx.msk [tilespmem:v55+s12+$0x0], $0xffff  }
0x13d: {  	v56 =	vor.u32 $0x7, v2;
	_ =	sdelay $0x3  }
0x13e: {  	[tilespmem:s31+$0xFFFFFF00] =	vst v3  }
0x13f: {  	v3 =	vld.idx.msk [tilespmem:v56+s12+$0x0], $0xffff  }
0x140: {  	v57 =	vor.u32 $0x8, v2;
	_ =	sdelay $0x3  }
0x141: {  	[tilespmem:s31+$0xFFFFFF80] =	vst v3  }
0x142: {  	v3 =	vld.idx.msk [tilespmem:v57+s12+$0x0], $0xffff  }
0x143: {  	v58 =	vor.u32 $0x9, v2;
	_ =	sdelay $0x3  }
0x144: {  	[tilespmem:s31+$0x0] =	vst v3  }
0x145: {  	v3 =	vld.idx.msk [tilespmem:v58+s12+$0x0], $0xffff  }
0x146: {  	v59 =	vor.u32 $0xA, v2;
	_ =	sdelay $0x3  }
0x147: {  	[tilespmem:s31+$0x80] =	vst v3  }
0x148: {  	v3 =	vld.idx.msk [tilespmem:v59+s12+$0x0], $0xffff  }
0x149: {  	v60 =	vor.u32 $0xB, v2;
	_ =	sdelay $0x3  }
0x14a: {  	[tilespmem:s31+$0x100] =	vst v3  }
0x14b: {  	v3 =	vld.idx.msk [tilespmem:v60+s12+$0x0], $0xffff  }
0x14c: {  	v61 =	vor.u32 $0xC, v2;
	_ =	sdelay $0x3  }
0x14d: {  	[tilespmem:s31+$0x180] =	vst v3  }
0x14e: {  	v3 =	vld.idx.msk [tilespmem:v61+s12+$0x0], $0xffff  }
0x14f: {  	v62 =	vor.u32 $0xD, v2;
	_ =	sdelay $0x3  }
0x150: {  	[tilespmem:s31+$0x200] =	vst v3  }
0x151: {  	v3 =	vld.idx.msk [tilespmem:v62+s12+$0x0], $0xffff  }
0x152: {  	v63 =	vor.u32 $0xE, v2;
	_ =	sdelay $0x3  }
0x153: {  	[tilespmem:s31+$0x280] =	vst v3  }
0x154: {  	v3 =	vld.idx.msk [tilespmem:v63+s12+$0x0], $0xffff  }
0x155: {  	v2 =	vor.u32 $0xF, v2;
	_ =	sdelay $0x3  }
0x156: {  	[tilespmem:s31+$0x300] =	vst v3  }
0x157: {  	v2 =	vld.idx.msk [tilespmem:v2+s12+$0x0], $0xffff;
	_ =	sdelay $0x3  }
0x158: {  	s20 =	sadd.s32 $0x1, s20  }
0x159: {  	p0 =	sne.s32 s20, s8;
	[tilespmem:s31+$0x380] =	vst v2  }
0x15a: {  	[hbm4b:s7+s18] =	stream.strided.scatter [tilespmem:s19], [sflag:$0x4], $0x800, s9, s18, $0x200038;
	[tilespmem:$0x12800] =	vst v63  }
.Ltmp4:
0x15b: {  	_ = 	snop;
	(pc) =	sbr.rel @p0 .LBB2_1-.Ltmp4, $4  }
0x15c: {  	_ =	swait.ge [sflag:s13], $0x800  }
0x15d: {  	[sflag:s13] =	ssyncset.done $0x0  }
0x15e: {  	[sflag:s13] =	ssyncadd.s32 $0xFFFFF800  }
0x15f: {  	_ =	strace $0x9000004D  }
0x160: {  	_ =	sfence.sel $0x180000  }
0x161: {  	[bflag:$0x0] =	sbarrier.arrive $0xFFFF  }
0x162: {  	p0 =	sne.s32 s2, $0x0;
	_ =	strace $0x90000047  }
0x163: {  	s0 =	sadd.s32 @!p0 $0x100000, s0;
	[bflag:$0x2] =	sbarrier.arrive $0xFFFF  }
0x164: {  	[sflag:s0] =	ssyncadd.tile.s32 @!p0 $0x1;
	_ =	shalt  }
.Lfunc_end2:
_tile_overlayer_lowered:
.L_overlay_start_2:
0x165: {  	(tag) =	ssettag $0x2  }
0x166: {  	s0 =	rddreg [dreg:$0x0];
	s2 =	stileid.u32  }
0x167: {  	s1 =	rddreg [dreg:$0x1];
	p0 =	sne.s32 s2, $0x0  }
0x168: {  	s3 =	rddreg [dreg:$0x2];
	[bflag:$0x3] =	sbarrier.arrive $0xFFFF;
	s2 =	simm.s32 @!p0 $0x1C04  }
0x169: {  	[timem:s3], [sflag:s2] =	dma.local @!p0 [hbm:s0], s1  }
0x16a: {  	s0 =	simm.s32 @!p0 $0x4  }
0x16b: {  	_ =	swait.ge @!p0 [sflag:s0], s1  }
0x16c: {  	s1 =	ssub.s32 @!p0 $0x0, s1;
	[sflag:s0] =	ssyncset.done @!p0 $0x0  }
0x16d: {  	[sflag:s0] =	ssyncadd.s32 @!p0 s1  }
0x16e: {  	[bflag:$0x3] =	sbarrier.arrive $0xFFFF  }
0x16f: {  	_ =	shalt  }

</sc_bundles>
